<compile_context>
chip_gen: v7x
topology: tpu7x:2x2x1
jax: 0.10.2.dev20260603
libtpu: 0.0.44.dev20260713+nightly
codegen_flags: <defaults>
</compile_context>

<pallas_src>
import jax
import jax.numpy as jnp
from jax import lax
from jax.experimental import pallas as pl
from jax.experimental.pallas import tpu as pltpu
from jax.experimental.pallas import tpu_sc as plsc

BATCH = 4096
HIST = 200
EMB = 128
TOTAL = BATCH * HIST

_info = plsc.get_sparse_core_info()
NC = _info.num_cores
NS = _info.num_subcores
NW = NC * NS

CHUNK = 128
PER_W = TOTAL // NW
N_CHUNK = PER_W // CHUNK
NBUF = 5
LOOK = 3


def _gather_body(codes_hbm, table_hbm, out_hbm, idx_all, rows_v, *sems):
    gsem = sems[:NBUF]
    wsem = sems[NBUF:]
    wid = lax.axis_index("s") * NC + lax.axis_index("c")
    base = wid * PER_W

    pltpu.sync_copy(codes_hbm.at[pl.ds(base, PER_W)], idx_all)

    def idx_slice(g):
        return idx_all.at[pl.ds(g * CHUNK, CHUNK)]

    def fire_gather(b, g):
        pltpu.async_copy(table_hbm.at[idx_slice(g)], rows_v.at[b], gsem[b])

    def wait_gather(b, g):
        pltpu.make_async_copy(
            table_hbm.at[idx_slice(g)], rows_v.at[b], gsem[b]
        ).wait()

    def fire_write(b, g):
        off = base + g * CHUNK
        pltpu.async_copy(rows_v.at[b], out_hbm.at[pl.ds(off, CHUNK)], wsem[b])

    def wait_write(b, g):
        off = base + g * CHUNK
        pltpu.make_async_copy(
            rows_v.at[b], out_hbm.at[pl.ds(off, CHUNK)], wsem[b]
        ).wait()

    def slot(g, b, do_drain, do_fire):
        wait_gather(b, g)
        fire_write(b, g)
        if do_drain:
            wait_write((b + LOOK) % NBUF, g + LOOK - NBUF)
        if do_fire:
            fire_gather((b + LOOK) % NBUF, g + LOOK)

    for b in range(LOOK):
        fire_gather(b, b)

    for b in range(NBUF):
        slot(b, b, do_drain=(b >= NBUF - LOOK), do_fire=True)

    def outer(o, carry):
        for b in range(NBUF):
            slot(o * NBUF + b, b, do_drain=True, do_fire=True)
        return carry

    lax.fori_loop(1, N_CHUNK // NBUF - 1, outer, 0)

    for b in range(NBUF):
        g = N_CHUNK - NBUF + b
        slot(g, b, do_drain=(g + LOOK < N_CHUNK), do_fire=(g + LOOK < N_CHUNK))
    for b in range(NBUF):
        wait_write(b, N_CHUNK - NBUF + b)


@jax.jit
def kernel(codes, table):
    codes_flat = codes.reshape(TOTAL).astype(jnp.int32)
    mesh = plsc.VectorSubcoreMesh(core_axis_name="c", subcore_axis_name="s")
    k = pl.kernel(
        _gather_body,
        mesh=mesh,
        out_type=jax.ShapeDtypeStruct((TOTAL, EMB), jnp.float32),
        scratch_types=(
            [
                pltpu.VMEM((PER_W,), jnp.int32),
                pltpu.VMEM((NBUF, CHUNK, EMB), jnp.float32),
            ]
            + [pltpu.SemaphoreType.DMA] * (2 * NBUF)
        ),
    )
    out = k(codes_flat, table)
    return out.reshape(BATCH, HIST, EMB)

# --- scband reference (transcript-rebuilt; emitter-appended) ---
"""Pipeline reference for scband-embedding-3796751089781 (READ-ONLY COPY).

The authoritative reference and input builder live on the scoring server;
editing this copy changes nothing except your own understanding.
"""

import jax, jax.numpy as jnp
import numpy as np

TOTAL_VOCAB = 100000
EMB_SIZE = 128
TABLE_ROWS = TOTAL_VOCAB + 3
BATCH = 4096
HIST = 200

def setup_inputs(seed: int = 0) -> dict:
    key = jax.random.key(seed)
    k1, k2 = jax.random.split(key)
    codes = jax.random.randint(k1, (BATCH, HIST), 0, 100000, dtype=jnp.int64 if jax.config.jax_enable_x64 else jnp.int32)
    table = jax.random.normal(k2, (TABLE_ROWS, EMB_SIZE), dtype=jnp.float32) * 0.02
    return {"codes": codes, "table": table}

def reference(codes, table):
    # nn.Embedding lookup: gather rows of the table by index
    return jnp.take(table, codes, axis=0)

if __name__ == "__main__":
    import jax
    _d = setup_inputs()
    print(jax.jit(kernel)(*tuple(_d.values())))

</pallas_src>

<mosaic_0001>
#map = affine_map<(d0, d1) -> (0)>
#map1 = affine_map<(d0, d1) -> (0, 0)>
module attributes {stable_mosaic.version = 14 : i64} {
  func.func @_gather_body(%arg0: i32, %arg1: i32, %arg2: memref<819200xi32, #tpu.memory_space<hbm>>, %arg3: memref<100003x128xf32, #tpu.memory_space<hbm>>, %arg4: memref<819200x128xf32, #tpu.memory_space<hbm>>, %arg5: memref<25600xi32, #tpu.memory_space<vmem>>, %arg6: memref<5x128x128xf32, #tpu.memory_space<vmem>>, %arg7: memref<!tpu.dma_semaphore, #tpu.memory_space<semaphore_mem>>, %arg8: memref<!tpu.dma_semaphore, #tpu.memory_space<semaphore_mem>>, %arg9: memref<!tpu.dma_semaphore, #tpu.memory_space<semaphore_mem>>, %arg10: memref<!tpu.dma_semaphore, #tpu.memory_space<semaphore_mem>>, %arg11: memref<!tpu.dma_semaphore, #tpu.memory_space<semaphore_mem>>, %arg12: memref<!tpu.dma_semaphore, #tpu.memory_space<semaphore_mem>>, %arg13: memref<!tpu.dma_semaphore, #tpu.memory_space<semaphore_mem>>, %arg14: memref<!tpu.dma_semaphore, #tpu.memory_space<semaphore_mem>>, %arg15: memref<!tpu.dma_semaphore, #tpu.memory_space<semaphore_mem>>, %arg16: memref<!tpu.dma_semaphore, #tpu.memory_space<semaphore_mem>>) attributes {dimension_semantics = [#tpu.dimension_semantics<core_parallel>, #tpu.dimension_semantics<subcore_parallel>], iteration_bounds = array<i64: 2, 16>, scalar_prefetch = 0 : i64, scratch_operands = 12 : i64, tpu.core_type = #tpu.core_type<sc_vector_subcore>, window_params = [{transform_indices = #map}, {transform_indices = #map1}, {transform_indices = #map1}]} {
    %mul3A = arith.constant 2 : i32
    %mul3A_0 = arith.muli %arg1, %mul3A : i32
    %add3A = arith.addi %mul3A_0, %arg0 : i32
    %mul3A_1 = arith.constant 25600 : i32
    %mul3A_2 = arith.muli %add3A, %mul3A_1 : i32
    "tpu.region"() ({
      %run_scoped3A = tpu.sem_alloc : memref<!tpu.dma_semaphore, #tpu.memory_space<semaphore_mem>>
      %dma_start3A_506 = tpu.memref_slice %arg2[%mul3A_2] : memref<819200xi32, #tpu.memory_space<hbm>> -> memref<25600xi32, #tpu.memory_space<hbm>>
      %dma_start3A_507 = tpu.memref_slice %arg2[%mul3A_2] : memref<819200xi32, #tpu.memory_space<hbm>> -> memref<25600xi32, #tpu.memory_space<hbm>>
      tpu.enqueue_dma source(%dma_start3A_507 : memref<25600xi32, #tpu.memory_space<hbm>>) target(%arg5 : memref<25600xi32, #tpu.memory_space<vmem>>) target_semaphore(%run_scoped3A : memref<!tpu.dma_semaphore, #tpu.memory_space<semaphore_mem>>)
      %dma_wait3A_508 = tpu.memref_slice %arg2[%mul3A_2] : memref<819200xi32, #tpu.memory_space<hbm>> -> memref<25600xi32, #tpu.memory_space<hbm>>
      %dma_wait3A_509 = tpu.memref_slice %arg2[%mul3A_2] : memref<819200xi32, #tpu.memory_space<hbm>> -> memref<25600xi32, #tpu.memory_space<hbm>>
      tpu.wait_dma2 semaphore(%run_scoped3A : memref<!tpu.dma_semaphore, #tpu.memory_space<semaphore_mem>>) src(%dma_wait3A_509 : memref<25600xi32, #tpu.memory_space<hbm>>) dst(%arg5 : memref<25600xi32, #tpu.memory_space<vmem>>)
      tpu.yield
    }) : () -> ()
    %dma_start3A = arith.constant 0 : i32
    %dma_start3A_3 = arith.constant 0 : i32
    %dma_start3A_4 = arith.constant 0 : i32
    %dma_start3A_5 = tpu.memref_slice %arg6[%dma_start3A, %dma_start3A_3, %dma_start3A_4] : memref<5x128x128xf32, #tpu.memory_space<vmem>> -> memref<1x128x128xf32, #tpu.memory_space<vmem>>
    %dma_start3A_6 = tpu.memref_squeeze %dma_start3A_5 : memref<1x128x128xf32, #tpu.memory_space<vmem>> -> memref<128x128xf32, #tpu.memory_space<vmem>>
    %dma_start3A_7 = arith.constant 0 : i32
    %dma_start3A_8 = tpu.memref_slice %arg5[%dma_start3A_7] : memref<25600xi32, #tpu.memory_space<vmem>> -> memref<128xi32, #tpu.memory_space<vmem>>
    %dma_start3A_9 = arith.constant 0 : i32
    %dma_start3A_10 = arith.constant 0 : i32
    %dma_start3A_11 = tpu.memref_slice %arg3[%dma_start3A_9, %dma_start3A_10] : memref<100003x128xf32, #tpu.memory_space<hbm>> -> memref<100003x128xf32, #tpu.memory_space<hbm>>
    tpu.enqueue_indirect_dma source(%dma_start3A_11 : memref<100003x128xf32, #tpu.memory_space<hbm>>) target(%dma_start3A_6 : memref<128x128xf32, #tpu.memory_space<vmem>>) offsets(%dma_start3A_8 : memref<128xi32, #tpu.memory_space<vmem>>) semaphore(%arg7 : memref<!tpu.dma_semaphore, #tpu.memory_space<semaphore_mem>>)
    %dma_start3A_12 = arith.constant 1 : i32
    %dma_start3A_13 = arith.constant 0 : i32
    %dma_start3A_14 = arith.constant 0 : i32
    %dma_start3A_15 = tpu.memref_slice %arg6[%dma_start3A_12, %dma_start3A_13, %dma_start3A_14] : memref<5x128x128xf32, #tpu.memory_space<vmem>> -> memref<1x128x128xf32, #tpu.memory_space<vmem>>
    %dma_start3A_16 = tpu.memref_squeeze %dma_start3A_15 : memref<1x128x128xf32, #tpu.memory_space<vmem>> -> memref<128x128xf32, #tpu.memory_space<vmem>>
    %dma_start3A_17 = arith.constant 128 : i32
    %dma_start3A_18 = tpu.memref_slice %arg5[%dma_start3A_17] : memref<25600xi32, #tpu.memory_space<vmem>> -> memref<128xi32, #tpu.memory_space<vmem>>
    %dma_start3A_19 = arith.constant 0 : i32
    %dma_start3A_20 = arith.constant 0 : i32
    %dma_start3A_21 = tpu.memref_slice %arg3[%dma_start3A_19, %dma_start3A_20] : memref<100003x128xf32, #tpu.memory_space<hbm>> -> memref<100003x128xf32, #tpu.memory_space<hbm>>
    tpu.enqueue_indirect_dma source(%dma_start3A_21 : memref<100003x128xf32, #tpu.memory_space<hbm>>) target(%dma_start3A_16 : memref<128x128xf32, #tpu.memory_space<vmem>>) offsets(%dma_start3A_18 : memref<128xi32, #tpu.memory_space<vmem>>) semaphore(%arg8 : memref<!tpu.dma_semaphore, #tpu.memory_space<semaphore_mem>>)
    %dma_start3A_22 = arith.constant 2 : i32
    %dma_start3A_23 = arith.constant 0 : i32
    %dma_start3A_24 = arith.constant 0 : i32
    %dma_start3A_25 = tpu.memref_slice %arg6[%dma_start3A_22, %dma_start3A_23, %dma_start3A_24] : memref<5x128x128xf32, #tpu.memory_space<vmem>> -> memref<1x128x128xf32, #tpu.memory_space<vmem>>
    %dma_start3A_26 = tpu.memref_squeeze %dma_start3A_25 : memref<1x128x128xf32, #tpu.memory_space<vmem>> -> memref<128x128xf32, #tpu.memory_space<vmem>>
    %dma_start3A_27 = arith.constant 256 : i32
    %dma_start3A_28 = tpu.memref_slice %arg5[%dma_start3A_27] : memref<25600xi32, #tpu.memory_space<vmem>> -> memref<128xi32, #tpu.memory_space<vmem>>
    %dma_start3A_29 = arith.constant 0 : i32
    %dma_start3A_30 = arith.constant 0 : i32
    %dma_start3A_31 = tpu.memref_slice %arg3[%dma_start3A_29, %dma_start3A_30] : memref<100003x128xf32, #tpu.memory_space<hbm>> -> memref<100003x128xf32, #tpu.memory_space<hbm>>
    tpu.enqueue_indirect_dma source(%dma_start3A_31 : memref<100003x128xf32, #tpu.memory_space<hbm>>) target(%dma_start3A_26 : memref<128x128xf32, #tpu.memory_space<vmem>>) offsets(%dma_start3A_28 : memref<128xi32, #tpu.memory_space<vmem>>) semaphore(%arg9 : memref<!tpu.dma_semaphore, #tpu.memory_space<semaphore_mem>>)
    %dma_wait3A = arith.constant 0 : i32
    %dma_wait3A_32 = arith.constant 0 : i32
    %dma_wait3A_33 = arith.constant 0 : i32
    %dma_wait3A_34 = tpu.memref_slice %arg6[%dma_wait3A, %dma_wait3A_32, %dma_wait3A_33] : memref<5x128x128xf32, #tpu.memory_space<vmem>> -> memref<1x128x128xf32, #tpu.memory_space<vmem>>
    %dma_wait3A_35 = tpu.memref_squeeze %dma_wait3A_34 : memref<1x128x128xf32, #tpu.memory_space<vmem>> -> memref<128x128xf32, #tpu.memory_space<vmem>>
    %dma_wait3A_36 = arith.constant 0 : i32
    %dma_wait3A_37 = tpu.memref_slice %arg5[%dma_wait3A_36] : memref<25600xi32, #tpu.memory_space<vmem>> -> memref<128xi32, #tpu.memory_space<vmem>>
    %dma_wait3A_38 = arith.constant 0 : i32
    %dma_wait3A_39 = arith.constant 0 : i32
    %dma_wait3A_40 = tpu.memref_slice %arg3[%dma_wait3A_38, %dma_wait3A_39] : memref<100003x128xf32, #tpu.memory_space<hbm>> -> memref<100003x128xf32, #tpu.memory_space<hbm>>
    tpu.wait_indirect_dma semaphore(%arg7 : memref<!tpu.dma_semaphore, #tpu.memory_space<semaphore_mem>>) src(%dma_wait3A_40 : memref<100003x128xf32, #tpu.memory_space<hbm>>) dst(%dma_wait3A_35 : memref<128x128xf32, #tpu.memory_space<vmem>>)
    %add3A_41 = arith.constant 0 : i32
    %add3A_42 = arith.addi %mul3A_2, %add3A_41 : i32
    %dma_start3A_43 = arith.constant 0 : i32
    %dma_start3A_44 = arith.constant 0 : i32
    %dma_start3A_45 = arith.constant 0 : i32
    %dma_start3A_46 = tpu.memref_slice %arg6[%dma_start3A_43, %dma_start3A_44, %dma_start3A_45] : memref<5x128x128xf32, #tpu.memory_space<vmem>> -> memref<1x128x128xf32, #tpu.memory_space<vmem>>
    %dma_start3A_47 = tpu.memref_squeeze %dma_start3A_46 : memref<1x128x128xf32, #tpu.memory_space<vmem>> -> memref<128x128xf32, #tpu.memory_space<vmem>>
    %dma_start3A_48 = arith.constant 0 : i32
    %dma_start3A_49 = tpu.memref_slice %arg4[%add3A_42, %dma_start3A_48] : memref<819200x128xf32, #tpu.memory_space<hbm>> -> memref<128x128xf32, #tpu.memory_space<hbm>>
    %dma_start3A_50 = arith.constant 0 : i32
    %dma_start3A_51 = tpu.memref_slice %arg4[%add3A_42, %dma_start3A_50] : memref<819200x128xf32, #tpu.memory_space<hbm>> -> memref<128x128xf32, #tpu.memory_space<hbm>>
    %dma_start3A_52 = arith.constant 0 : i32
    %dma_start3A_53 = arith.constant 0 : i32
    %dma_start3A_54 = tpu.memref_slice %arg6[%dma_start3A_43, %dma_start3A_52, %dma_start3A_53] : memref<5x128x128xf32, #tpu.memory_space<vmem>> -> memref<1x128x128xf32, #tpu.memory_space<vmem>>
    %dma_start3A_55 = tpu.memref_squeeze %dma_start3A_54 : memref<1x128x128xf32, #tpu.memory_space<vmem>> -> memref<128x128xf32, #tpu.memory_space<vmem>>
    tpu.enqueue_dma source(%dma_start3A_55 : memref<128x128xf32, #tpu.memory_space<vmem>>) target(%dma_start3A_51 : memref<128x128xf32, #tpu.memory_space<hbm>>) target_semaphore(%arg12 : memref<!tpu.dma_semaphore, #tpu.memory_space<semaphore_mem>>)
    %dma_start3A_56 = arith.constant 3 : i32
    %dma_start3A_57 = arith.constant 0 : i32
    %dma_start3A_58 = arith.constant 0 : i32
    %dma_start3A_59 = tpu.memref_slice %arg6[%dma_start3A_56, %dma_start3A_57, %dma_start3A_58] : memref<5x128x128xf32, #tpu.memory_space<vmem>> -> memref<1x128x128xf32, #tpu.memory_space<vmem>>
    %dma_start3A_60 = tpu.memref_squeeze %dma_start3A_59 : memref<1x128x128xf32, #tpu.memory_space<vmem>> -> memref<128x128xf32, #tpu.memory_space<vmem>>
    %dma_start3A_61 = arith.constant 384 : i32
    %dma_start3A_62 = tpu.memref_slice %arg5[%dma_start3A_61] : memref<25600xi32, #tpu.memory_space<vmem>> -> memref<128xi32, #tpu.memory_space<vmem>>
    %dma_start3A_63 = arith.constant 0 : i32
    %dma_start3A_64 = arith.constant 0 : i32
    %dma_start3A_65 = tpu.memref_slice %arg3[%dma_start3A_63, %dma_start3A_64] : memref<100003x128xf32, #tpu.memory_space<hbm>> -> memref<100003x128xf32, #tpu.memory_space<hbm>>
    tpu.enqueue_indirect_dma source(%dma_start3A_65 : memref<100003x128xf32, #tpu.memory_space<hbm>>) target(%dma_start3A_60 : memref<128x128xf32, #tpu.memory_space<vmem>>) offsets(%dma_start3A_62 : memref<128xi32, #tpu.memory_space<vmem>>) semaphore(%arg10 : memref<!tpu.dma_semaphore, #tpu.memory_space<semaphore_mem>>)
    %dma_wait3A_66 = arith.constant 1 : i32
    %dma_wait3A_67 = arith.constant 0 : i32
    %dma_wait3A_68 = arith.constant 0 : i32
    %dma_wait3A_69 = tpu.memref_slice %arg6[%dma_wait3A_66, %dma_wait3A_67, %dma_wait3A_68] : memref<5x128x128xf32, #tpu.memory_space<vmem>> -> memref<1x128x128xf32, #tpu.memory_space<vmem>>
    %dma_wait3A_70 = tpu.memref_squeeze %dma_wait3A_69 : memref<1x128x128xf32, #tpu.memory_space<vmem>> -> memref<128x128xf32, #tpu.memory_space<vmem>>
    %dma_wait3A_71 = arith.constant 128 : i32
    %dma_wait3A_72 = tpu.memref_slice %arg5[%dma_wait3A_71] : memref<25600xi32, #tpu.memory_space<vmem>> -> memref<128xi32, #tpu.memory_space<vmem>>
    %dma_wait3A_73 = arith.constant 0 : i32
    %dma_wait3A_74 = arith.constant 0 : i32
    %dma_wait3A_75 = tpu.memref_slice %arg3[%dma_wait3A_73, %dma_wait3A_74] : memref<100003x128xf32, #tpu.memory_space<hbm>> -> memref<100003x128xf32, #tpu.memory_space<hbm>>
    tpu.wait_indirect_dma semaphore(%arg8 : memref<!tpu.dma_semaphore, #tpu.memory_space<semaphore_mem>>) src(%dma_wait3A_75 : memref<100003x128xf32, #tpu.memory_space<hbm>>) dst(%dma_wait3A_70 : memref<128x128xf32, #tpu.memory_space<vmem>>)
    %add3A_76 = arith.constant 128 : i32
    %add3A_77 = arith.addi %mul3A_2, %add3A_76 : i32
    %dma_start3A_78 = arith.constant 1 : i32
    %dma_start3A_79 = arith.constant 0 : i32
    %dma_start3A_80 = arith.constant 0 : i32
    %dma_start3A_81 = tpu.memref_slice %arg6[%dma_start3A_78, %dma_start3A_79, %dma_start3A_80] : memref<5x128x128xf32, #tpu.memory_space<vmem>> -> memref<1x128x128xf32, #tpu.memory_space<vmem>>
    %dma_start3A_82 = tpu.memref_squeeze %dma_start3A_81 : memref<1x128x128xf32, #tpu.memory_space<vmem>> -> memref<128x128xf32, #tpu.memory_space<vmem>>
    %dma_start3A_83 = arith.constant 0 : i32
    %dma_start3A_84 = tpu.memref_slice %arg4[%add3A_77, %dma_start3A_83] : memref<819200x128xf32, #tpu.memory_space<hbm>> -> memref<128x128xf32, #tpu.memory_space<hbm>>
    %dma_start3A_85 = arith.constant 0 : i32
    %dma_start3A_86 = tpu.memref_slice %arg4[%add3A_77, %dma_start3A_85] : memref<819200x128xf32, #tpu.memory_space<hbm>> -> memref<128x128xf32, #tpu.memory_space<hbm>>
    %dma_start3A_87 = arith.constant 0 : i32
    %dma_start3A_88 = arith.constant 0 : i32
    %dma_start3A_89 = tpu.memref_slice %arg6[%dma_start3A_78, %dma_start3A_87, %dma_start3A_88] : memref<5x128x128xf32, #tpu.memory_space<vmem>> -> memref<1x128x128xf32, #tpu.memory_space<vmem>>
    %dma_start3A_90 = tpu.memref_squeeze %dma_start3A_89 : memref<1x128x128xf32, #tpu.memory_space<vmem>> -> memref<128x128xf32, #tpu.memory_space<vmem>>
    tpu.enqueue_dma source(%dma_start3A_90 : memref<128x128xf32, #tpu.memory_space<vmem>>) target(%dma_start3A_86 : memref<128x128xf32, #tpu.memory_space<hbm>>) target_semaphore(%arg13 : memref<!tpu.dma_semaphore, #tpu.memory_space<semaphore_mem>>)
    %dma_start3A_91 = arith.constant 4 : i32
    %dma_start3A_92 = arith.constant 0 : i32
    %dma_start3A_93 = arith.constant 0 : i32
    %dma_start3A_94 = tpu.memref_slice %arg6[%dma_start3A_91, %dma_start3A_92, %dma_start3A_93] : memref<5x128x128xf32, #tpu.memory_space<vmem>> -> memref<1x128x128xf32, #tpu.memory_space<vmem>>
    %dma_start3A_95 = tpu.memref_squeeze %dma_start3A_94 : memref<1x128x128xf32, #tpu.memory_space<vmem>> -> memref<128x128xf32, #tpu.memory_space<vmem>>
    %dma_start3A_96 = arith.constant 512 : i32
    %dma_start3A_97 = tpu.memref_slice %arg5[%dma_start3A_96] : memref<25600xi32, #tpu.memory_space<vmem>> -> memref<128xi32, #tpu.memory_space<vmem>>
    %dma_start3A_98 = arith.constant 0 : i32
    %dma_start3A_99 = arith.constant 0 : i32
    %dma_start3A_100 = tpu.memref_slice %arg3[%dma_start3A_98, %dma_start3A_99] : memref<100003x128xf32, #tpu.memory_space<hbm>> -> memref<100003x128xf32, #tpu.memory_space<hbm>>
    tpu.enqueue_indirect_dma source(%dma_start3A_100 : memref<100003x128xf32, #tpu.memory_space<hbm>>) target(%dma_start3A_95 : memref<128x128xf32, #tpu.memory_space<vmem>>) offsets(%dma_start3A_97 : memref<128xi32, #tpu.memory_space<vmem>>) semaphore(%arg11 : memref<!tpu.dma_semaphore, #tpu.memory_space<semaphore_mem>>)
    %dma_wait3A_101 = arith.constant 2 : i32
    %dma_wait3A_102 = arith.constant 0 : i32
    %dma_wait3A_103 = arith.constant 0 : i32
    %dma_wait3A_104 = tpu.memref_slice %arg6[%dma_wait3A_101, %dma_wait3A_102, %dma_wait3A_103] : memref<5x128x128xf32, #tpu.memory_space<vmem>> -> memref<1x128x128xf32, #tpu.memory_space<vmem>>
    %dma_wait3A_105 = tpu.memref_squeeze %dma_wait3A_104 : memref<1x128x128xf32, #tpu.memory_space<vmem>> -> memref<128x128xf32, #tpu.memory_space<vmem>>
    %dma_wait3A_106 = arith.constant 256 : i32
    %dma_wait3A_107 = tpu.memref_slice %arg5[%dma_wait3A_106] : memref<25600xi32, #tpu.memory_space<vmem>> -> memref<128xi32, #tpu.memory_space<vmem>>
    %dma_wait3A_108 = arith.constant 0 : i32
    %dma_wait3A_109 = arith.constant 0 : i32
    %dma_wait3A_110 = tpu.memref_slice %arg3[%dma_wait3A_108, %dma_wait3A_109] : memref<100003x128xf32, #tpu.memory_space<hbm>> -> memref<100003x128xf32, #tpu.memory_space<hbm>>
    tpu.wait_indirect_dma semaphore(%arg9 : memref<!tpu.dma_semaphore, #tpu.memory_space<semaphore_mem>>) src(%dma_wait3A_110 : memref<100003x128xf32, #tpu.memory_space<hbm>>) dst(%dma_wait3A_105 : memref<128x128xf32, #tpu.memory_space<vmem>>)
    %add3A_111 = arith.constant 256 : i32
    %add3A_112 = arith.addi %mul3A_2, %add3A_111 : i32
    %dma_start3A_113 = arith.constant 2 : i32
    %dma_start3A_114 = arith.constant 0 : i32
    %dma_start3A_115 = arith.constant 0 : i32
    %dma_start3A_116 = tpu.memref_slice %arg6[%dma_start3A_113, %dma_start3A_114, %dma_start3A_115] : memref<5x128x128xf32, #tpu.memory_space<vmem>> -> memref<1x128x128xf32, #tpu.memory_space<vmem>>
    %dma_start3A_117 = tpu.memref_squeeze %dma_start3A_116 : memref<1x128x128xf32, #tpu.memory_space<vmem>> -> memref<128x128xf32, #tpu.memory_space<vmem>>
    %dma_start3A_118 = arith.constant 0 : i32
    %dma_start3A_119 = tpu.memref_slice %arg4[%add3A_112, %dma_start3A_118] : memref<819200x128xf32, #tpu.memory_space<hbm>> -> memref<128x128xf32, #tpu.memory_space<hbm>>
    %dma_start3A_120 = arith.constant 0 : i32
    %dma_start3A_121 = tpu.memref_slice %arg4[%add3A_112, %dma_start3A_120] : memref<819200x128xf32, #tpu.memory_space<hbm>> -> memref<128x128xf32, #tpu.memory_space<hbm>>
    %dma_start3A_122 = arith.constant 0 : i32
    %dma_start3A_123 = arith.constant 0 : i32
    %dma_start3A_124 = tpu.memref_slice %arg6[%dma_start3A_113, %dma_start3A_122, %dma_start3A_123] : memref<5x128x128xf32, #tpu.memory_space<vmem>> -> memref<1x128x128xf32, #tpu.memory_space<vmem>>
    %dma_start3A_125 = tpu.memref_squeeze %dma_start3A_124 : memref<1x128x128xf32, #tpu.memory_space<vmem>> -> memref<128x128xf32, #tpu.memory_space<vmem>>
    tpu.enqueue_dma source(%dma_start3A_125 : memref<128x128xf32, #tpu.memory_space<vmem>>) target(%dma_start3A_121 : memref<128x128xf32, #tpu.memory_space<hbm>>) target_semaphore(%arg14 : memref<!tpu.dma_semaphore, #tpu.memory_space<semaphore_mem>>)
    %add3A_126 = arith.constant 0 : i32
    %add3A_127 = arith.addi %mul3A_2, %add3A_126 : i32
    %dma_wait3A_128 = arith.constant 0 : i32
    %dma_wait3A_129 = arith.constant 0 : i32
    %dma_wait3A_130 = arith.constant 0 : i32
    %dma_wait3A_131 = tpu.memref_slice %arg6[%dma_wait3A_128, %dma_wait3A_129, %dma_wait3A_130] : memref<5x128x128xf32, #tpu.memory_space<vmem>> -> memref<1x128x128xf32, #tpu.memory_space<vmem>>
    %dma_wait3A_132 = tpu.memref_squeeze %dma_wait3A_131 : memref<1x128x128xf32, #tpu.memory_space<vmem>> -> memref<128x128xf32, #tpu.memory_space<vmem>>
    %dma_wait3A_133 = arith.constant 0 : i32
    %dma_wait3A_134 = tpu.memref_slice %arg4[%add3A_127, %dma_wait3A_133] : memref<819200x128xf32, #tpu.memory_space<hbm>> -> memref<128x128xf32, #tpu.memory_space<hbm>>
    %dma_wait3A_135 = arith.constant 0 : i32
    %dma_wait3A_136 = tpu.memref_slice %arg4[%add3A_127, %dma_wait3A_135] : memref<819200x128xf32, #tpu.memory_space<hbm>> -> memref<128x128xf32, #tpu.memory_space<hbm>>
    %dma_wait3A_137 = arith.constant 0 : i32
    %dma_wait3A_138 = arith.constant 0 : i32
    %dma_wait3A_139 = tpu.memref_slice %arg6[%dma_wait3A_128, %dma_wait3A_137, %dma_wait3A_138] : memref<5x128x128xf32, #tpu.memory_space<vmem>> -> memref<1x128x128xf32, #tpu.memory_space<vmem>>
    %dma_wait3A_140 = tpu.memref_squeeze %dma_wait3A_139 : memref<1x128x128xf32, #tpu.memory_space<vmem>> -> memref<128x128xf32, #tpu.memory_space<vmem>>
    tpu.wait_dma2 semaphore(%arg12 : memref<!tpu.dma_semaphore, #tpu.memory_space<semaphore_mem>>) src(%dma_wait3A_140 : memref<128x128xf32, #tpu.memory_space<vmem>>) dst(%dma_wait3A_136 : memref<128x128xf32, #tpu.memory_space<hbm>>)
    %dma_start3A_141 = arith.constant 0 : i32
    %dma_start3A_142 = arith.constant 0 : i32
    %dma_start3A_143 = arith.constant 0 : i32
    %dma_start3A_144 = tpu.memref_slice %arg6[%dma_start3A_141, %dma_start3A_142, %dma_start3A_143] : memref<5x128x128xf32, #tpu.memory_space<vmem>> -> memref<1x128x128xf32, #tpu.memory_space<vmem>>
    %dma_start3A_145 = tpu.memref_squeeze %dma_start3A_144 : memref<1x128x128xf32, #tpu.memory_space<vmem>> -> memref<128x128xf32, #tpu.memory_space<vmem>>
    %dma_start3A_146 = arith.constant 640 : i32
    %dma_start3A_147 = tpu.memref_slice %arg5[%dma_start3A_146] : memref<25600xi32, #tpu.memory_space<vmem>> -> memref<128xi32, #tpu.memory_space<vmem>>
    %dma_start3A_148 = arith.constant 0 : i32
    %dma_start3A_149 = arith.constant 0 : i32
    %dma_start3A_150 = tpu.memref_slice %arg3[%dma_start3A_148, %dma_start3A_149] : memref<100003x128xf32, #tpu.memory_space<hbm>> -> memref<100003x128xf32, #tpu.memory_space<hbm>>
    tpu.enqueue_indirect_dma source(%dma_start3A_150 : memref<100003x128xf32, #tpu.memory_space<hbm>>) target(%dma_start3A_145 : memref<128x128xf32, #tpu.memory_space<vmem>>) offsets(%dma_start3A_147 : memref<128xi32, #tpu.memory_space<vmem>>) semaphore(%arg7 : memref<!tpu.dma_semaphore, #tpu.memory_space<semaphore_mem>>)
    %dma_wait3A_151 = arith.constant 3 : i32
    %dma_wait3A_152 = arith.constant 0 : i32
    %dma_wait3A_153 = arith.constant 0 : i32
    %dma_wait3A_154 = tpu.memref_slice %arg6[%dma_wait3A_151, %dma_wait3A_152, %dma_wait3A_153] : memref<5x128x128xf32, #tpu.memory_space<vmem>> -> memref<1x128x128xf32, #tpu.memory_space<vmem>>
    %dma_wait3A_155 = tpu.memref_squeeze %dma_wait3A_154 : memref<1x128x128xf32, #tpu.memory_space<vmem>> -> memref<128x128xf32, #tpu.memory_space<vmem>>
    %dma_wait3A_156 = arith.constant 384 : i32
    %dma_wait3A_157 = tpu.memref_slice %arg5[%dma_wait3A_156] : memref<25600xi32, #tpu.memory_space<vmem>> -> memref<128xi32, #tpu.memory_space<vmem>>
    %dma_wait3A_158 = arith.constant 0 : i32
    %dma_wait3A_159 = arith.constant 0 : i32
    %dma_wait3A_160 = tpu.memref_slice %arg3[%dma_wait3A_158, %dma_wait3A_159] : memref<100003x128xf32, #tpu.memory_space<hbm>> -> memref<100003x128xf32, #tpu.memory_space<hbm>>
    tpu.wait_indirect_dma semaphore(%arg10 : memref<!tpu.dma_semaphore, #tpu.memory_space<semaphore_mem>>) src(%dma_wait3A_160 : memref<100003x128xf32, #tpu.memory_space<hbm>>) dst(%dma_wait3A_155 : memref<128x128xf32, #tpu.memory_space<vmem>>)
    %add3A_161 = arith.constant 384 : i32
    %add3A_162 = arith.addi %mul3A_2, %add3A_161 : i32
    %dma_start3A_163 = arith.constant 3 : i32
    %dma_start3A_164 = arith.constant 0 : i32
    %dma_start3A_165 = arith.constant 0 : i32
    %dma_start3A_166 = tpu.memref_slice %arg6[%dma_start3A_163, %dma_start3A_164, %dma_start3A_165] : memref<5x128x128xf32, #tpu.memory_space<vmem>> -> memref<1x128x128xf32, #tpu.memory_space<vmem>>
    %dma_start3A_167 = tpu.memref_squeeze %dma_start3A_166 : memref<1x128x128xf32, #tpu.memory_space<vmem>> -> memref<128x128xf32, #tpu.memory_space<vmem>>
    %dma_start3A_168 = arith.constant 0 : i32
    %dma_start3A_169 = tpu.memref_slice %arg4[%add3A_162, %dma_start3A_168] : memref<819200x128xf32, #tpu.memory_space<hbm>> -> memref<128x128xf32, #tpu.memory_space<hbm>>
    %dma_start3A_170 = arith.constant 0 : i32
    %dma_start3A_171 = tpu.memref_slice %arg4[%add3A_162, %dma_start3A_170] : memref<819200x128xf32, #tpu.memory_space<hbm>> -> memref<128x128xf32, #tpu.memory_space<hbm>>
    %dma_start3A_172 = arith.constant 0 : i32
    %dma_start3A_173 = arith.constant 0 : i32
    %dma_start3A_174 = tpu.memref_slice %arg6[%dma_start3A_163, %dma_start3A_172, %dma_start3A_173] : memref<5x128x128xf32, #tpu.memory_space<vmem>> -> memref<1x128x128xf32, #tpu.memory_space<vmem>>
    %dma_start3A_175 = tpu.memref_squeeze %dma_start3A_174 : memref<1x128x128xf32, #tpu.memory_space<vmem>> -> memref<128x128xf32, #tpu.memory_space<vmem>>
    tpu.enqueue_dma source(%dma_start3A_175 : memref<128x128xf32, #tpu.memory_space<vmem>>) target(%dma_start3A_171 : memref<128x128xf32, #tpu.memory_space<hbm>>) target_semaphore(%arg15 : memref<!tpu.dma_semaphore, #tpu.memory_space<semaphore_mem>>)
    %add3A_176 = arith.constant 128 : i32
    %add3A_177 = arith.addi %mul3A_2, %add3A_176 : i32
    %dma_wait3A_178 = arith.constant 1 : i32
    %dma_wait3A_179 = arith.constant 0 : i32
    %dma_wait3A_180 = arith.constant 0 : i32
    %dma_wait3A_181 = tpu.memref_slice %arg6[%dma_wait3A_178, %dma_wait3A_179, %dma_wait3A_180] : memref<5x128x128xf32, #tpu.memory_space<vmem>> -> memref<1x128x128xf32, #tpu.memory_space<vmem>>
    %dma_wait3A_182 = tpu.memref_squeeze %dma_wait3A_181 : memref<1x128x128xf32, #tpu.memory_space<vmem>> -> memref<128x128xf32, #tpu.memory_space<vmem>>
    %dma_wait3A_183 = arith.constant 0 : i32
    %dma_wait3A_184 = tpu.memref_slice %arg4[%add3A_177, %dma_wait3A_183] : memref<819200x128xf32, #tpu.memory_space<hbm>> -> memref<128x128xf32, #tpu.memory_space<hbm>>
    %dma_wait3A_185 = arith.constant 0 : i32
    %dma_wait3A_186 = tpu.memref_slice %arg4[%add3A_177, %dma_wait3A_185] : memref<819200x128xf32, #tpu.memory_space<hbm>> -> memref<128x128xf32, #tpu.memory_space<hbm>>
    %dma_wait3A_187 = arith.constant 0 : i32
    %dma_wait3A_188 = arith.constant 0 : i32
    %dma_wait3A_189 = tpu.memref_slice %arg6[%dma_wait3A_178, %dma_wait3A_187, %dma_wait3A_188] : memref<5x128x128xf32, #tpu.memory_space<vmem>> -> memref<1x128x128xf32, #tpu.memory_space<vmem>>
    %dma_wait3A_190 = tpu.memref_squeeze %dma_wait3A_189 : memref<1x128x128xf32, #tpu.memory_space<vmem>> -> memref<128x128xf32, #tpu.memory_space<vmem>>
    tpu.wait_dma2 semaphore(%arg13 : memref<!tpu.dma_semaphore, #tpu.memory_space<semaphore_mem>>) src(%dma_wait3A_190 : memref<128x128xf32, #tpu.memory_space<vmem>>) dst(%dma_wait3A_186 : memref<128x128xf32, #tpu.memory_space<hbm>>)
    %dma_start3A_191 = arith.constant 1 : i32
    %dma_start3A_192 = arith.constant 0 : i32
    %dma_start3A_193 = arith.constant 0 : i32
    %dma_start3A_194 = tpu.memref_slice %arg6[%dma_start3A_191, %dma_start3A_192, %dma_start3A_193] : memref<5x128x128xf32, #tpu.memory_space<vmem>> -> memref<1x128x128xf32, #tpu.memory_space<vmem>>
    %dma_start3A_195 = tpu.memref_squeeze %dma_start3A_194 : memref<1x128x128xf32, #tpu.memory_space<vmem>> -> memref<128x128xf32, #tpu.memory_space<vmem>>
    %dma_start3A_196 = arith.constant 768 : i32
    %dma_start3A_197 = tpu.memref_slice %arg5[%dma_start3A_196] : memref<25600xi32, #tpu.memory_space<vmem>> -> memref<128xi32, #tpu.memory_space<vmem>>
    %dma_start3A_198 = arith.constant 0 : i32
    %dma_start3A_199 = arith.constant 0 : i32
    %dma_start3A_200 = tpu.memref_slice %arg3[%dma_start3A_198, %dma_start3A_199] : memref<100003x128xf32, #tpu.memory_space<hbm>> -> memref<100003x128xf32, #tpu.memory_space<hbm>>
    tpu.enqueue_indirect_dma source(%dma_start3A_200 : memref<100003x128xf32, #tpu.memory_space<hbm>>) target(%dma_start3A_195 : memref<128x128xf32, #tpu.memory_space<vmem>>) offsets(%dma_start3A_197 : memref<128xi32, #tpu.memory_space<vmem>>) semaphore(%arg8 : memref<!tpu.dma_semaphore, #tpu.memory_space<semaphore_mem>>)
    %dma_wait3A_201 = arith.constant 4 : i32
    %dma_wait3A_202 = arith.constant 0 : i32
    %dma_wait3A_203 = arith.constant 0 : i32
    %dma_wait3A_204 = tpu.memref_slice %arg6[%dma_wait3A_201, %dma_wait3A_202, %dma_wait3A_203] : memref<5x128x128xf32, #tpu.memory_space<vmem>> -> memref<1x128x128xf32, #tpu.memory_space<vmem>>
    %dma_wait3A_205 = tpu.memref_squeeze %dma_wait3A_204 : memref<1x128x128xf32, #tpu.memory_space<vmem>> -> memref<128x128xf32, #tpu.memory_space<vmem>>
    %dma_wait3A_206 = arith.constant 512 : i32
    %dma_wait3A_207 = tpu.memref_slice %arg5[%dma_wait3A_206] : memref<25600xi32, #tpu.memory_space<vmem>> -> memref<128xi32, #tpu.memory_space<vmem>>
    %dma_wait3A_208 = arith.constant 0 : i32
    %dma_wait3A_209 = arith.constant 0 : i32
    %dma_wait3A_210 = tpu.memref_slice %arg3[%dma_wait3A_208, %dma_wait3A_209] : memref<100003x128xf32, #tpu.memory_space<hbm>> -> memref<100003x128xf32, #tpu.memory_space<hbm>>
    tpu.wait_indirect_dma semaphore(%arg11 : memref<!tpu.dma_semaphore, #tpu.memory_space<semaphore_mem>>) src(%dma_wait3A_210 : memref<100003x128xf32, #tpu.memory_space<hbm>>) dst(%dma_wait3A_205 : memref<128x128xf32, #tpu.memory_space<vmem>>)
    %add3A_211 = arith.constant 512 : i32
    %add3A_212 = arith.addi %mul3A_2, %add3A_211 : i32
    %dma_start3A_213 = arith.constant 4 : i32
    %dma_start3A_214 = arith.constant 0 : i32
    %dma_start3A_215 = arith.constant 0 : i32
    %dma_start3A_216 = tpu.memref_slice %arg6[%dma_start3A_213, %dma_start3A_214, %dma_start3A_215] : memref<5x128x128xf32, #tpu.memory_space<vmem>> -> memref<1x128x128xf32, #tpu.memory_space<vmem>>
    %dma_start3A_217 = tpu.memref_squeeze %dma_start3A_216 : memref<1x128x128xf32, #tpu.memory_space<vmem>> -> memref<128x128xf32, #tpu.memory_space<vmem>>
    %dma_start3A_218 = arith.constant 0 : i32
    %dma_start3A_219 = tpu.memref_slice %arg4[%add3A_212, %dma_start3A_218] : memref<819200x128xf32, #tpu.memory_space<hbm>> -> memref<128x128xf32, #tpu.memory_space<hbm>>
    %dma_start3A_220 = arith.constant 0 : i32
    %dma_start3A_221 = tpu.memref_slice %arg4[%add3A_212, %dma_start3A_220] : memref<819200x128xf32, #tpu.memory_space<hbm>> -> memref<128x128xf32, #tpu.memory_space<hbm>>
    %dma_start3A_222 = arith.constant 0 : i32
    %dma_start3A_223 = arith.constant 0 : i32
    %dma_start3A_224 = tpu.memref_slice %arg6[%dma_start3A_213, %dma_start3A_222, %dma_start3A_223] : memref<5x128x128xf32, #tpu.memory_space<vmem>> -> memref<1x128x128xf32, #tpu.memory_space<vmem>>
    %dma_start3A_225 = tpu.memref_squeeze %dma_start3A_224 : memref<1x128x128xf32, #tpu.memory_space<vmem>> -> memref<128x128xf32, #tpu.memory_space<vmem>>
    tpu.enqueue_dma source(%dma_start3A_225 : memref<128x128xf32, #tpu.memory_space<vmem>>) target(%dma_start3A_221 : memref<128x128xf32, #tpu.memory_space<hbm>>) target_semaphore(%arg16 : memref<!tpu.dma_semaphore, #tpu.memory_space<semaphore_mem>>)
    %add3A_226 = arith.constant 256 : i32
    %add3A_227 = arith.addi %mul3A_2, %add3A_226 : i32
    %dma_wait3A_228 = arith.constant 2 : i32
    %dma_wait3A_229 = arith.constant 0 : i32
    %dma_wait3A_230 = arith.constant 0 : i32
    %dma_wait3A_231 = tpu.memref_slice %arg6[%dma_wait3A_228, %dma_wait3A_229, %dma_wait3A_230] : memref<5x128x128xf32, #tpu.memory_space<vmem>> -> memref<1x128x128xf32, #tpu.memory_space<vmem>>
    %dma_wait3A_232 = tpu.memref_squeeze %dma_wait3A_231 : memref<1x128x128xf32, #tpu.memory_space<vmem>> -> memref<128x128xf32, #tpu.memory_space<vmem>>
    %dma_wait3A_233 = arith.constant 0 : i32
    %dma_wait3A_234 = tpu.memref_slice %arg4[%add3A_227, %dma_wait3A_233] : memref<819200x128xf32, #tpu.memory_space<hbm>> -> memref<128x128xf32, #tpu.memory_space<hbm>>
    %dma_wait3A_235 = arith.constant 0 : i32
    %dma_wait3A_236 = tpu.memref_slice %arg4[%add3A_227, %dma_wait3A_235] : memref<819200x128xf32, #tpu.memory_space<hbm>> -> memref<128x128xf32, #tpu.memory_space<hbm>>
    %dma_wait3A_237 = arith.constant 0 : i32
    %dma_wait3A_238 = arith.constant 0 : i32
    %dma_wait3A_239 = tpu.memref_slice %arg6[%dma_wait3A_228, %dma_wait3A_237, %dma_wait3A_238] : memref<5x128x128xf32, #tpu.memory_space<vmem>> -> memref<1x128x128xf32, #tpu.memory_space<vmem>>
    %dma_wait3A_240 = tpu.memref_squeeze %dma_wait3A_239 : memref<1x128x128xf32, #tpu.memory_space<vmem>> -> memref<128x128xf32, #tpu.memory_space<vmem>>
    tpu.wait_dma2 semaphore(%arg14 : memref<!tpu.dma_semaphore, #tpu.memory_space<semaphore_mem>>) src(%dma_wait3A_240 : memref<128x128xf32, #tpu.memory_space<vmem>>) dst(%dma_wait3A_236 : memref<128x128xf32, #tpu.memory_space<hbm>>)
    %dma_start3A_241 = arith.constant 2 : i32
    %dma_start3A_242 = arith.constant 0 : i32
    %dma_start3A_243 = arith.constant 0 : i32
    %dma_start3A_244 = tpu.memref_slice %arg6[%dma_start3A_241, %dma_start3A_242, %dma_start3A_243] : memref<5x128x128xf32, #tpu.memory_space<vmem>> -> memref<1x128x128xf32, #tpu.memory_space<vmem>>
    %dma_start3A_245 = tpu.memref_squeeze %dma_start3A_244 : memref<1x128x128xf32, #tpu.memory_space<vmem>> -> memref<128x128xf32, #tpu.memory_space<vmem>>
    %dma_start3A_246 = arith.constant 896 : i32
    %dma_start3A_247 = tpu.memref_slice %arg5[%dma_start3A_246] : memref<25600xi32, #tpu.memory_space<vmem>> -> memref<128xi32, #tpu.memory_space<vmem>>
    %dma_start3A_248 = arith.constant 0 : i32
    %dma_start3A_249 = arith.constant 0 : i32
    %dma_start3A_250 = tpu.memref_slice %arg3[%dma_start3A_248, %dma_start3A_249] : memref<100003x128xf32, #tpu.memory_space<hbm>> -> memref<100003x128xf32, #tpu.memory_space<hbm>>
    tpu.enqueue_indirect_dma source(%dma_start3A_250 : memref<100003x128xf32, #tpu.memory_space<hbm>>) target(%dma_start3A_245 : memref<128x128xf32, #tpu.memory_space<vmem>>) offsets(%dma_start3A_247 : memref<128xi32, #tpu.memory_space<vmem>>) semaphore(%arg9 : memref<!tpu.dma_semaphore, #tpu.memory_space<semaphore_mem>>)
    %scan3A = arith.constant 0 : i32
    %scan3A_251 = arith.constant 1 : i32
    %scan3A_252 = arith.constant 38 : i32
    %scan3A_253 = arith.addi %scan3A_251, %scan3A_252 : i32
    %scan3A_254 = arith.constant 1 : i32
    scf.for %scan3A_506 = %scan3A_251 to %scan3A_253 step %scan3A_254  : i32 {
      %mul3A_507 = arith.constant 5 : i32
      %mul3A_508 = arith.muli %scan3A_506, %mul3A_507 : i32
      %add3A_509 = arith.constant 0 : i32
      %add3A_510 = arith.addi %mul3A_508, %add3A_509 : i32
      %mul3A_511 = arith.constant 128 : i32
      %mul3A_512 = arith.muli %add3A_510, %mul3A_511 : i32
      %dma_wait3A_513 = arith.constant 0 : i32
      %dma_wait3A_514 = arith.constant 0 : i32
      %dma_wait3A_515 = arith.constant 0 : i32
      %dma_wait3A_516 = tpu.memref_slice %arg6[%dma_wait3A_513, %dma_wait3A_514, %dma_wait3A_515] : memref<5x128x128xf32, #tpu.memory_space<vmem>> -> memref<1x128x128xf32, #tpu.memory_space<vmem>>
      %dma_wait3A_517 = tpu.memref_squeeze %dma_wait3A_516 : memref<1x128x128xf32, #tpu.memory_space<vmem>> -> memref<128x128xf32, #tpu.memory_space<vmem>>
      %dma_wait3A_518 = tpu.memref_slice %arg5[%mul3A_512] : memref<25600xi32, #tpu.memory_space<vmem>> -> memref<128xi32, #tpu.memory_space<vmem>>
      %dma_wait3A_519 = arith.constant 0 : i32
      %dma_wait3A_520 = arith.constant 0 : i32
      %dma_wait3A_521 = tpu.memref_slice %arg3[%dma_wait3A_519, %dma_wait3A_520] : memref<100003x128xf32, #tpu.memory_space<hbm>> -> memref<100003x128xf32, #tpu.memory_space<hbm>>
      tpu.wait_indirect_dma semaphore(%arg7 : memref<!tpu.dma_semaphore, #tpu.memory_space<semaphore_mem>>) src(%dma_wait3A_521 : memref<100003x128xf32, #tpu.memory_space<hbm>>) dst(%dma_wait3A_517 : memref<128x128xf32, #tpu.memory_space<vmem>>)
      %mul3A_522 = arith.constant 128 : i32
      %mul3A_523 = arith.muli %add3A_510, %mul3A_522 : i32
      %add3A_524 = arith.addi %mul3A_2, %mul3A_523 : i32
      %dma_start3A_525 = arith.constant 0 : i32
      %dma_start3A_526 = arith.constant 0 : i32
      %dma_start3A_527 = arith.constant 0 : i32
      %dma_start3A_528 = tpu.memref_slice %arg6[%dma_start3A_525, %dma_start3A_526, %dma_start3A_527] : memref<5x128x128xf32, #tpu.memory_space<vmem>> -> memref<1x128x128xf32, #tpu.memory_space<vmem>>
      %dma_start3A_529 = tpu.memref_squeeze %dma_start3A_528 : memref<1x128x128xf32, #tpu.memory_space<vmem>> -> memref<128x128xf32, #tpu.memory_space<vmem>>
      %dma_start3A_530 = arith.constant 0 : i32
      %dma_start3A_531 = tpu.memref_slice %arg4[%add3A_524, %dma_start3A_530] : memref<819200x128xf32, #tpu.memory_space<hbm>> -> memref<128x128xf32, #tpu.memory_space<hbm>>
      %dma_start3A_532 = arith.constant 0 : i32
      %dma_start3A_533 = tpu.memref_slice %arg4[%add3A_524, %dma_start3A_532] : memref<819200x128xf32, #tpu.memory_space<hbm>> -> memref<128x128xf32, #tpu.memory_space<hbm>>
      %dma_start3A_534 = arith.constant 0 : i32
      %dma_start3A_535 = arith.constant 0 : i32
      %dma_start3A_536 = tpu.memref_slice %arg6[%dma_start3A_525, %dma_start3A_534, %dma_start3A_535] : memref<5x128x128xf32, #tpu.memory_space<vmem>> -> memref<1x128x128xf32, #tpu.memory_space<vmem>>
      %dma_start3A_537 = tpu.memref_squeeze %dma_start3A_536 : memref<1x128x128xf32, #tpu.memory_space<vmem>> -> memref<128x128xf32, #tpu.memory_space<vmem>>
      tpu.enqueue_dma source(%dma_start3A_537 : memref<128x128xf32, #tpu.memory_space<vmem>>) target(%dma_start3A_533 : memref<128x128xf32, #tpu.memory_space<hbm>>) target_semaphore(%arg12 : memref<!tpu.dma_semaphore, #tpu.memory_space<semaphore_mem>>)
      %add3A_538 = arith.constant 3 : i32
      %add3A_539 = arith.addi %add3A_510, %add3A_538 : i32
      %sub3A = arith.constant 5 : i32
      %sub3A_540 = arith.subi %add3A_539, %sub3A : i32
      %mul3A_541 = arith.constant 128 : i32
      %mul3A_542 = arith.muli %sub3A_540, %mul3A_541 : i32
      %add3A_543 = arith.addi %mul3A_2, %mul3A_542 : i32
      %dma_wait3A_544 = arith.constant 3 : i32
      %dma_wait3A_545 = arith.constant 0 : i32
      %dma_wait3A_546 = arith.constant 0 : i32
      %dma_wait3A_547 = tpu.memref_slice %arg6[%dma_wait3A_544, %dma_wait3A_545, %dma_wait3A_546] : memref<5x128x128xf32, #tpu.memory_space<vmem>> -> memref<1x128x128xf32, #tpu.memory_space<vmem>>
      %dma_wait3A_548 = tpu.memref_squeeze %dma_wait3A_547 : memref<1x128x128xf32, #tpu.memory_space<vmem>> -> memref<128x128xf32, #tpu.memory_space<vmem>>
      %dma_wait3A_549 = arith.constant 0 : i32
      %dma_wait3A_550 = tpu.memref_slice %arg4[%add3A_543, %dma_wait3A_549] : memref<819200x128xf32, #tpu.memory_space<hbm>> -> memref<128x128xf32, #tpu.memory_space<hbm>>
      %dma_wait3A_551 = arith.constant 0 : i32
      %dma_wait3A_552 = tpu.memref_slice %arg4[%add3A_543, %dma_wait3A_551] : memref<819200x128xf32, #tpu.memory_space<hbm>> -> memref<128x128xf32, #tpu.memory_space<hbm>>
      %dma_wait3A_553 = arith.constant 0 : i32
      %dma_wait3A_554 = arith.constant 0 : i32
      %dma_wait3A_555 = tpu.memref_slice %arg6[%dma_wait3A_544, %dma_wait3A_553, %dma_wait3A_554] : memref<5x128x128xf32, #tpu.memory_space<vmem>> -> memref<1x128x128xf32, #tpu.memory_space<vmem>>
      %dma_wait3A_556 = tpu.memref_squeeze %dma_wait3A_555 : memref<1x128x128xf32, #tpu.memory_space<vmem>> -> memref<128x128xf32, #tpu.memory_space<vmem>>
      tpu.wait_dma2 semaphore(%arg15 : memref<!tpu.dma_semaphore, #tpu.memory_space<semaphore_mem>>) src(%dma_wait3A_556 : memref<128x128xf32, #tpu.memory_space<vmem>>) dst(%dma_wait3A_552 : memref<128x128xf32, #tpu.memory_space<hbm>>)
      %add3A_557 = arith.constant 3 : i32
      %add3A_558 = arith.addi %add3A_510, %add3A_557 : i32
      %mul3A_559 = arith.constant 128 : i32
      %mul3A_560 = arith.muli %add3A_558, %mul3A_559 : i32
      %dma_start3A_561 = arith.constant 3 : i32
      %dma_start3A_562 = arith.constant 0 : i32
      %dma_start3A_563 = arith.constant 0 : i32
      %dma_start3A_564 = tpu.memref_slice %arg6[%dma_start3A_561, %dma_start3A_562, %dma_start3A_563] : memref<5x128x128xf32, #tpu.memory_space<vmem>> -> memref<1x128x128xf32, #tpu.memory_space<vmem>>
      %dma_start3A_565 = tpu.memref_squeeze %dma_start3A_564 : memref<1x128x128xf32, #tpu.memory_space<vmem>> -> memref<128x128xf32, #tpu.memory_space<vmem>>
      %dma_start3A_566 = tpu.memref_slice %arg5[%mul3A_560] : memref<25600xi32, #tpu.memory_space<vmem>> -> memref<128xi32, #tpu.memory_space<vmem>>
      %dma_start3A_567 = arith.constant 0 : i32
      %dma_start3A_568 = arith.constant 0 : i32
      %dma_start3A_569 = tpu.memref_slice %arg3[%dma_start3A_567, %dma_start3A_568] : memref<100003x128xf32, #tpu.memory_space<hbm>> -> memref<100003x128xf32, #tpu.memory_space<hbm>>
      tpu.enqueue_indirect_dma source(%dma_start3A_569 : memref<100003x128xf32, #tpu.memory_space<hbm>>) target(%dma_start3A_565 : memref<128x128xf32, #tpu.memory_space<vmem>>) offsets(%dma_start3A_566 : memref<128xi32, #tpu.memory_space<vmem>>) semaphore(%arg10 : memref<!tpu.dma_semaphore, #tpu.memory_space<semaphore_mem>>)
      %mul3A_570 = arith.constant 5 : i32
      %mul3A_571 = arith.muli %scan3A_506, %mul3A_570 : i32
      %add3A_572 = arith.constant 1 : i32
      %add3A_573 = arith.addi %mul3A_571, %add3A_572 : i32
      %mul3A_574 = arith.constant 128 : i32
      %mul3A_575 = arith.muli %add3A_573, %mul3A_574 : i32
      %dma_wait3A_576 = arith.constant 1 : i32
      %dma_wait3A_577 = arith.constant 0 : i32
      %dma_wait3A_578 = arith.constant 0 : i32
      %dma_wait3A_579 = tpu.memref_slice %arg6[%dma_wait3A_576, %dma_wait3A_577, %dma_wait3A_578] : memref<5x128x128xf32, #tpu.memory_space<vmem>> -> memref<1x128x128xf32, #tpu.memory_space<vmem>>
      %dma_wait3A_580 = tpu.memref_squeeze %dma_wait3A_579 : memref<1x128x128xf32, #tpu.memory_space<vmem>> -> memref<128x128xf32, #tpu.memory_space<vmem>>
      %dma_wait3A_581 = tpu.memref_slice %arg5[%mul3A_575] : memref<25600xi32, #tpu.memory_space<vmem>> -> memref<128xi32, #tpu.memory_space<vmem>>
      %dma_wait3A_582 = arith.constant 0 : i32
      %dma_wait3A_583 = arith.constant 0 : i32
      %dma_wait3A_584 = tpu.memref_slice %arg3[%dma_wait3A_582, %dma_wait3A_583] : memref<100003x128xf32, #tpu.memory_space<hbm>> -> memref<100003x128xf32, #tpu.memory_space<hbm>>
      tpu.wait_indirect_dma semaphore(%arg8 : memref<!tpu.dma_semaphore, #tpu.memory_space<semaphore_mem>>) src(%dma_wait3A_584 : memref<100003x128xf32, #tpu.memory_space<hbm>>) dst(%dma_wait3A_580 : memref<128x128xf32, #tpu.memory_space<vmem>>)
      %mul3A_585 = arith.constant 128 : i32
      %mul3A_586 = arith.muli %add3A_573, %mul3A_585 : i32
      %add3A_587 = arith.addi %mul3A_2, %mul3A_586 : i32
      %dma_start3A_588 = arith.constant 1 : i32
      %dma_start3A_589 = arith.constant 0 : i32
      %dma_start3A_590 = arith.constant 0 : i32
      %dma_start3A_591 = tpu.memref_slice %arg6[%dma_start3A_588, %dma_start3A_589, %dma_start3A_590] : memref<5x128x128xf32, #tpu.memory_space<vmem>> -> memref<1x128x128xf32, #tpu.memory_space<vmem>>
      %dma_start3A_592 = tpu.memref_squeeze %dma_start3A_591 : memref<1x128x128xf32, #tpu.memory_space<vmem>> -> memref<128x128xf32, #tpu.memory_space<vmem>>
      %dma_start3A_593 = arith.constant 0 : i32
      %dma_start3A_594 = tpu.memref_slice %arg4[%add3A_587, %dma_start3A_593] : memref<819200x128xf32, #tpu.memory_space<hbm>> -> memref<128x128xf32, #tpu.memory_space<hbm>>
      %dma_start3A_595 = arith.constant 0 : i32
      %dma_start3A_596 = tpu.memref_slice %arg4[%add3A_587, %dma_start3A_595] : memref<819200x128xf32, #tpu.memory_space<hbm>> -> memref<128x128xf32, #tpu.memory_space<hbm>>
      %dma_start3A_597 = arith.constant 0 : i32
      %dma_start3A_598 = arith.constant 0 : i32
      %dma_start3A_599 = tpu.memref_slice %arg6[%dma_start3A_588, %dma_start3A_597, %dma_start3A_598] : memref<5x128x128xf32, #tpu.memory_space<vmem>> -> memref<1x128x128xf32, #tpu.memory_space<vmem>>
      %dma_start3A_600 = tpu.memref_squeeze %dma_start3A_599 : memref<1x128x128xf32, #tpu.memory_space<vmem>> -> memref<128x128xf32, #tpu.memory_space<vmem>>
      tpu.enqueue_dma source(%dma_start3A_600 : memref<128x128xf32, #tpu.memory_space<vmem>>) target(%dma_start3A_596 : memref<128x128xf32, #tpu.memory_space<hbm>>) target_semaphore(%arg13 : memref<!tpu.dma_semaphore, #tpu.memory_space<semaphore_mem>>)
      %add3A_601 = arith.constant 3 : i32
      %add3A_602 = arith.addi %add3A_573, %add3A_601 : i32
      %sub3A_603 = arith.constant 5 : i32
      %sub3A_604 = arith.subi %add3A_602, %sub3A_603 : i32
      %mul3A_605 = arith.constant 128 : i32
      %mul3A_606 = arith.muli %sub3A_604, %mul3A_605 : i32
      %add3A_607 = arith.addi %mul3A_2, %mul3A_606 : i32
      %dma_wait3A_608 = arith.constant 4 : i32
      %dma_wait3A_609 = arith.constant 0 : i32
      %dma_wait3A_610 = arith.constant 0 : i32
      %dma_wait3A_611 = tpu.memref_slice %arg6[%dma_wait3A_608, %dma_wait3A_609, %dma_wait3A_610] : memref<5x128x128xf32, #tpu.memory_space<vmem>> -> memref<1x128x128xf32, #tpu.memory_space<vmem>>
      %dma_wait3A_612 = tpu.memref_squeeze %dma_wait3A_611 : memref<1x128x128xf32, #tpu.memory_space<vmem>> -> memref<128x128xf32, #tpu.memory_space<vmem>>
      %dma_wait3A_613 = arith.constant 0 : i32
      %dma_wait3A_614 = tpu.memref_slice %arg4[%add3A_607, %dma_wait3A_613] : memref<819200x128xf32, #tpu.memory_space<hbm>> -> memref<128x128xf32, #tpu.memory_space<hbm>>
      %dma_wait3A_615 = arith.constant 0 : i32
      %dma_wait3A_616 = tpu.memref_slice %arg4[%add3A_607, %dma_wait3A_615] : memref<819200x128xf32, #tpu.memory_space<hbm>> -> memref<128x128xf32, #tpu.memory_space<hbm>>
      %dma_wait3A_617 = arith.constant 0 : i32
      %dma_wait3A_618 = arith.constant 0 : i32
      %dma_wait3A_619 = tpu.memref_slice %arg6[%dma_wait3A_608, %dma_wait3A_617, %dma_wait3A_618] : memref<5x128x128xf32, #tpu.memory_space<vmem>> -> memref<1x128x128xf32, #tpu.memory_space<vmem>>
      %dma_wait3A_620 = tpu.memref_squeeze %dma_wait3A_619 : memref<1x128x128xf32, #tpu.memory_space<vmem>> -> memref<128x128xf32, #tpu.memory_space<vmem>>
      tpu.wait_dma2 semaphore(%arg16 : memref<!tpu.dma_semaphore, #tpu.memory_space<semaphore_mem>>) src(%dma_wait3A_620 : memref<128x128xf32, #tpu.memory_space<vmem>>) dst(%dma_wait3A_616 : memref<128x128xf32, #tpu.memory_space<hbm>>)
      %add3A_621 = arith.constant 3 : i32
      %add3A_622 = arith.addi %add3A_573, %add3A_621 : i32
      %mul3A_623 = arith.constant 128 : i32
      %mul3A_624 = arith.muli %add3A_622, %mul3A_623 : i32
      %dma_start3A_625 = arith.constant 4 : i32
      %dma_start3A_626 = arith.constant 0 : i32
      %dma_start3A_627 = arith.constant 0 : i32
      %dma_start3A_628 = tpu.memref_slice %arg6[%dma_start3A_625, %dma_start3A_626, %dma_start3A_627] : memref<5x128x128xf32, #tpu.memory_space<vmem>> -> memref<1x128x128xf32, #tpu.memory_space<vmem>>
      %dma_start3A_629 = tpu.memref_squeeze %dma_start3A_628 : memref<1x128x128xf32, #tpu.memory_space<vmem>> -> memref<128x128xf32, #tpu.memory_space<vmem>>
      %dma_start3A_630 = tpu.memref_slice %arg5[%mul3A_624] : memref<25600xi32, #tpu.memory_space<vmem>> -> memref<128xi32, #tpu.memory_space<vmem>>
      %dma_start3A_631 = arith.constant 0 : i32
      %dma_start3A_632 = arith.constant 0 : i32
      %dma_start3A_633 = tpu.memref_slice %arg3[%dma_start3A_631, %dma_start3A_632] : memref<100003x128xf32, #tpu.memory_space<hbm>> -> memref<100003x128xf32, #tpu.memory_space<hbm>>
      tpu.enqueue_indirect_dma source(%dma_start3A_633 : memref<100003x128xf32, #tpu.memory_space<hbm>>) target(%dma_start3A_629 : memref<128x128xf32, #tpu.memory_space<vmem>>) offsets(%dma_start3A_630 : memref<128xi32, #tpu.memory_space<vmem>>) semaphore(%arg11 : memref<!tpu.dma_semaphore, #tpu.memory_space<semaphore_mem>>)
      %mul3A_634 = arith.constant 5 : i32
      %mul3A_635 = arith.muli %scan3A_506, %mul3A_634 : i32
      %add3A_636 = arith.constant 2 : i32
      %add3A_637 = arith.addi %mul3A_635, %add3A_636 : i32
      %mul3A_638 = arith.constant 128 : i32
      %mul3A_639 = arith.muli %add3A_637, %mul3A_638 : i32
      %dma_wait3A_640 = arith.constant 2 : i32
      %dma_wait3A_641 = arith.constant 0 : i32
      %dma_wait3A_642 = arith.constant 0 : i32
      %dma_wait3A_643 = tpu.memref_slice %arg6[%dma_wait3A_640, %dma_wait3A_641, %dma_wait3A_642] : memref<5x128x128xf32, #tpu.memory_space<vmem>> -> memref<1x128x128xf32, #tpu.memory_space<vmem>>
      %dma_wait3A_644 = tpu.memref_squeeze %dma_wait3A_643 : memref<1x128x128xf32, #tpu.memory_space<vmem>> -> memref<128x128xf32, #tpu.memory_space<vmem>>
      %dma_wait3A_645 = tpu.memref_slice %arg5[%mul3A_639] : memref<25600xi32, #tpu.memory_space<vmem>> -> memref<128xi32, #tpu.memory_space<vmem>>
      %dma_wait3A_646 = arith.constant 0 : i32
      %dma_wait3A_647 = arith.constant 0 : i32
      %dma_wait3A_648 = tpu.memref_slice %arg3[%dma_wait3A_646, %dma_wait3A_647] : memref<100003x128xf32, #tpu.memory_space<hbm>> -> memref<100003x128xf32, #tpu.memory_space<hbm>>
      tpu.wait_indirect_dma semaphore(%arg9 : memref<!tpu.dma_semaphore, #tpu.memory_space<semaphore_mem>>) src(%dma_wait3A_648 : memref<100003x128xf32, #tpu.memory_space<hbm>>) dst(%dma_wait3A_644 : memref<128x128xf32, #tpu.memory_space<vmem>>)
      %mul3A_649 = arith.constant 128 : i32
      %mul3A_650 = arith.muli %add3A_637, %mul3A_649 : i32
      %add3A_651 = arith.addi %mul3A_2, %mul3A_650 : i32
      %dma_start3A_652 = arith.constant 2 : i32
      %dma_start3A_653 = arith.constant 0 : i32
      %dma_start3A_654 = arith.constant 0 : i32
      %dma_start3A_655 = tpu.memref_slice %arg6[%dma_start3A_652, %dma_start3A_653, %dma_start3A_654] : memref<5x128x128xf32, #tpu.memory_space<vmem>> -> memref<1x128x128xf32, #tpu.memory_space<vmem>>
      %dma_start3A_656 = tpu.memref_squeeze %dma_start3A_655 : memref<1x128x128xf32, #tpu.memory_space<vmem>> -> memref<128x128xf32, #tpu.memory_space<vmem>>
      %dma_start3A_657 = arith.constant 0 : i32
      %dma_start3A_658 = tpu.memref_slice %arg4[%add3A_651, %dma_start3A_657] : memref<819200x128xf32, #tpu.memory_space<hbm>> -> memref<128x128xf32, #tpu.memory_space<hbm>>
      %dma_start3A_659 = arith.constant 0 : i32
      %dma_start3A_660 = tpu.memref_slice %arg4[%add3A_651, %dma_start3A_659] : memref<819200x128xf32, #tpu.memory_space<hbm>> -> memref<128x128xf32, #tpu.memory_space<hbm>>
      %dma_start3A_661 = arith.constant 0 : i32
      %dma_start3A_662 = arith.constant 0 : i32
      %dma_start3A_663 = tpu.memref_slice %arg6[%dma_start3A_652, %dma_start3A_661, %dma_start3A_662] : memref<5x128x128xf32, #tpu.memory_space<vmem>> -> memref<1x128x128xf32, #tpu.memory_space<vmem>>
      %dma_start3A_664 = tpu.memref_squeeze %dma_start3A_663 : memref<1x128x128xf32, #tpu.memory_space<vmem>> -> memref<128x128xf32, #tpu.memory_space<vmem>>
      tpu.enqueue_dma source(%dma_start3A_664 : memref<128x128xf32, #tpu.memory_space<vmem>>) target(%dma_start3A_660 : memref<128x128xf32, #tpu.memory_space<hbm>>) target_semaphore(%arg14 : memref<!tpu.dma_semaphore, #tpu.memory_space<semaphore_mem>>)
      %add3A_665 = arith.constant 3 : i32
      %add3A_666 = arith.addi %add3A_637, %add3A_665 : i32
      %sub3A_667 = arith.constant 5 : i32
      %sub3A_668 = arith.subi %add3A_666, %sub3A_667 : i32
      %mul3A_669 = arith.constant 128 : i32
      %mul3A_670 = arith.muli %sub3A_668, %mul3A_669 : i32
      %add3A_671 = arith.addi %mul3A_2, %mul3A_670 : i32
      %dma_wait3A_672 = arith.constant 0 : i32
      %dma_wait3A_673 = arith.constant 0 : i32
      %dma_wait3A_674 = arith.constant 0 : i32
      %dma_wait3A_675 = tpu.memref_slice %arg6[%dma_wait3A_672, %dma_wait3A_673, %dma_wait3A_674] : memref<5x128x128xf32, #tpu.memory_space<vmem>> -> memref<1x128x128xf32, #tpu.memory_space<vmem>>
      %dma_wait3A_676 = tpu.memref_squeeze %dma_wait3A_675 : memref<1x128x128xf32, #tpu.memory_space<vmem>> -> memref<128x128xf32, #tpu.memory_space<vmem>>
      %dma_wait3A_677 = arith.constant 0 : i32
      %dma_wait3A_678 = tpu.memref_slice %arg4[%add3A_671, %dma_wait3A_677] : memref<819200x128xf32, #tpu.memory_space<hbm>> -> memref<128x128xf32, #tpu.memory_space<hbm>>
      %dma_wait3A_679 = arith.constant 0 : i32
      %dma_wait3A_680 = tpu.memref_slice %arg4[%add3A_671, %dma_wait3A_679] : memref<819200x128xf32, #tpu.memory_space<hbm>> -> memref<128x128xf32, #tpu.memory_space<hbm>>
      %dma_wait3A_681 = arith.constant 0 : i32
      %dma_wait3A_682 = arith.constant 0 : i32
      %dma_wait3A_683 = tpu.memref_slice %arg6[%dma_wait3A_672, %dma_wait3A_681, %dma_wait3A_682] : memref<5x128x128xf32, #tpu.memory_space<vmem>> -> memref<1x128x128xf32, #tpu.memory_space<vmem>>
      %dma_wait3A_684 = tpu.memref_squeeze %dma_wait3A_683 : memref<1x128x128xf32, #tpu.memory_space<vmem>> -> memref<128x128xf32, #tpu.memory_space<vmem>>
      tpu.wait_dma2 semaphore(%arg12 : memref<!tpu.dma_semaphore, #tpu.memory_space<semaphore_mem>>) src(%dma_wait3A_684 : memref<128x128xf32, #tpu.memory_space<vmem>>) dst(%dma_wait3A_680 : memref<128x128xf32, #tpu.memory_space<hbm>>)
      %add3A_685 = arith.constant 3 : i32
      %add3A_686 = arith.addi %add3A_637, %add3A_685 : i32
      %mul3A_687 = arith.constant 128 : i32
      %mul3A_688 = arith.muli %add3A_686, %mul3A_687 : i32
      %dma_start3A_689 = arith.constant 0 : i32
      %dma_start3A_690 = arith.constant 0 : i32
      %dma_start3A_691 = arith.constant 0 : i32
      %dma_start3A_692 = tpu.memref_slice %arg6[%dma_start3A_689, %dma_start3A_690, %dma_start3A_691] : memref<5x128x128xf32, #tpu.memory_space<vmem>> -> memref<1x128x128xf32, #tpu.memory_space<vmem>>
      %dma_start3A_693 = tpu.memref_squeeze %dma_start3A_692 : memref<1x128x128xf32, #tpu.memory_space<vmem>> -> memref<128x128xf32, #tpu.memory_space<vmem>>
      %dma_start3A_694 = tpu.memref_slice %arg5[%mul3A_688] : memref<25600xi32, #tpu.memory_space<vmem>> -> memref<128xi32, #tpu.memory_space<vmem>>
      %dma_start3A_695 = arith.constant 0 : i32
      %dma_start3A_696 = arith.constant 0 : i32
      %dma_start3A_697 = tpu.memref_slice %arg3[%dma_start3A_695, %dma_start3A_696] : memref<100003x128xf32, #tpu.memory_space<hbm>> -> memref<100003x128xf32, #tpu.memory_space<hbm>>
      tpu.enqueue_indirect_dma source(%dma_start3A_697 : memref<100003x128xf32, #tpu.memory_space<hbm>>) target(%dma_start3A_693 : memref<128x128xf32, #tpu.memory_space<vmem>>) offsets(%dma_start3A_694 : memref<128xi32, #tpu.memory_space<vmem>>) semaphore(%arg7 : memref<!tpu.dma_semaphore, #tpu.memory_space<semaphore_mem>>)
      %mul3A_698 = arith.constant 5 : i32
      %mul3A_699 = arith.muli %scan3A_506, %mul3A_698 : i32
      %add3A_700 = arith.constant 3 : i32
      %add3A_701 = arith.addi %mul3A_699, %add3A_700 : i32
      %mul3A_702 = arith.constant 128 : i32
      %mul3A_703 = arith.muli %add3A_701, %mul3A_702 : i32
      %dma_wait3A_704 = arith.constant 3 : i32
      %dma_wait3A_705 = arith.constant 0 : i32
      %dma_wait3A_706 = arith.constant 0 : i32
      %dma_wait3A_707 = tpu.memref_slice %arg6[%dma_wait3A_704, %dma_wait3A_705, %dma_wait3A_706] : memref<5x128x128xf32, #tpu.memory_space<vmem>> -> memref<1x128x128xf32, #tpu.memory_space<vmem>>
      %dma_wait3A_708 = tpu.memref_squeeze %dma_wait3A_707 : memref<1x128x128xf32, #tpu.memory_space<vmem>> -> memref<128x128xf32, #tpu.memory_space<vmem>>
      %dma_wait3A_709 = tpu.memref_slice %arg5[%mul3A_703] : memref<25600xi32, #tpu.memory_space<vmem>> -> memref<128xi32, #tpu.memory_space<vmem>>
      %dma_wait3A_710 = arith.constant 0 : i32
      %dma_wait3A_711 = arith.constant 0 : i32
      %dma_wait3A_712 = tpu.memref_slice %arg3[%dma_wait3A_710, %dma_wait3A_711] : memref<100003x128xf32, #tpu.memory_space<hbm>> -> memref<100003x128xf32, #tpu.memory_space<hbm>>
      tpu.wait_indirect_dma semaphore(%arg10 : memref<!tpu.dma_semaphore, #tpu.memory_space<semaphore_mem>>) src(%dma_wait3A_712 : memref<100003x128xf32, #tpu.memory_space<hbm>>) dst(%dma_wait3A_708 : memref<128x128xf32, #tpu.memory_space<vmem>>)
      %mul3A_713 = arith.constant 128 : i32
      %mul3A_714 = arith.muli %add3A_701, %mul3A_713 : i32
      %add3A_715 = arith.addi %mul3A_2, %mul3A_714 : i32
      %dma_start3A_716 = arith.constant 3 : i32
      %dma_start3A_717 = arith.constant 0 : i32
      %dma_start3A_718 = arith.constant 0 : i32
      %dma_start3A_719 = tpu.memref_slice %arg6[%dma_start3A_716, %dma_start3A_717, %dma_start3A_718] : memref<5x128x128xf32, #tpu.memory_space<vmem>> -> memref<1x128x128xf32, #tpu.memory_space<vmem>>
      %dma_start3A_720 = tpu.memref_squeeze %dma_start3A_719 : memref<1x128x128xf32, #tpu.memory_space<vmem>> -> memref<128x128xf32, #tpu.memory_space<vmem>>
      %dma_start3A_721 = arith.constant 0 : i32
      %dma_start3A_722 = tpu.memref_slice %arg4[%add3A_715, %dma_start3A_721] : memref<819200x128xf32, #tpu.memory_space<hbm>> -> memref<128x128xf32, #tpu.memory_space<hbm>>
      %dma_start3A_723 = arith.constant 0 : i32
      %dma_start3A_724 = tpu.memref_slice %arg4[%add3A_715, %dma_start3A_723] : memref<819200x128xf32, #tpu.memory_space<hbm>> -> memref<128x128xf32, #tpu.memory_space<hbm>>
      %dma_start3A_725 = arith.constant 0 : i32
      %dma_start3A_726 = arith.constant 0 : i32
      %dma_start3A_727 = tpu.memref_slice %arg6[%dma_start3A_716, %dma_start3A_725, %dma_start3A_726] : memref<5x128x128xf32, #tpu.memory_space<vmem>> -> memref<1x128x128xf32, #tpu.memory_space<vmem>>
      %dma_start3A_728 = tpu.memref_squeeze %dma_start3A_727 : memref<1x128x128xf32, #tpu.memory_space<vmem>> -> memref<128x128xf32, #tpu.memory_space<vmem>>
      tpu.enqueue_dma source(%dma_start3A_728 : memref<128x128xf32, #tpu.memory_space<vmem>>) target(%dma_start3A_724 : memref<128x128xf32, #tpu.memory_space<hbm>>) target_semaphore(%arg15 : memref<!tpu.dma_semaphore, #tpu.memory_space<semaphore_mem>>)
      %add3A_729 = arith.constant 3 : i32
      %add3A_730 = arith.addi %add3A_701, %add3A_729 : i32
      %sub3A_731 = arith.constant 5 : i32
      %sub3A_732 = arith.subi %add3A_730, %sub3A_731 : i32
      %mul3A_733 = arith.constant 128 : i32
      %mul3A_734 = arith.muli %sub3A_732, %mul3A_733 : i32
      %add3A_735 = arith.addi %mul3A_2, %mul3A_734 : i32
      %dma_wait3A_736 = arith.constant 1 : i32
      %dma_wait3A_737 = arith.constant 0 : i32
      %dma_wait3A_738 = arith.constant 0 : i32
      %dma_wait3A_739 = tpu.memref_slice %arg6[%dma_wait3A_736, %dma_wait3A_737, %dma_wait3A_738] : memref<5x128x128xf32, #tpu.memory_space<vmem>> -> memref<1x128x128xf32, #tpu.memory_space<vmem>>
      %dma_wait3A_740 = tpu.memref_squeeze %dma_wait3A_739 : memref<1x128x128xf32, #tpu.memory_space<vmem>> -> memref<128x128xf32, #tpu.memory_space<vmem>>
      %dma_wait3A_741 = arith.constant 0 : i32
      %dma_wait3A_742 = tpu.memref_slice %arg4[%add3A_735, %dma_wait3A_741] : memref<819200x128xf32, #tpu.memory_space<hbm>> -> memref<128x128xf32, #tpu.memory_space<hbm>>
      %dma_wait3A_743 = arith.constant 0 : i32
      %dma_wait3A_744 = tpu.memref_slice %arg4[%add3A_735, %dma_wait3A_743] : memref<819200x128xf32, #tpu.memory_space<hbm>> -> memref<128x128xf32, #tpu.memory_space<hbm>>
      %dma_wait3A_745 = arith.constant 0 : i32
      %dma_wait3A_746 = arith.constant 0 : i32
      %dma_wait3A_747 = tpu.memref_slice %arg6[%dma_wait3A_736, %dma_wait3A_745, %dma_wait3A_746] : memref<5x128x128xf32, #tpu.memory_space<vmem>> -> memref<1x128x128xf32, #tpu.memory_space<vmem>>
      %dma_wait3A_748 = tpu.memref_squeeze %dma_wait3A_747 : memref<1x128x128xf32, #tpu.memory_space<vmem>> -> memref<128x128xf32, #tpu.memory_space<vmem>>
      tpu.wait_dma2 semaphore(%arg13 : memref<!tpu.dma_semaphore, #tpu.memory_space<semaphore_mem>>) src(%dma_wait3A_748 : memref<128x128xf32, #tpu.memory_space<vmem>>) dst(%dma_wait3A_744 : memref<128x128xf32, #tpu.memory_space<hbm>>)
      %add3A_749 = arith.constant 3 : i32
      %add3A_750 = arith.addi %add3A_701, %add3A_749 : i32
      %mul3A_751 = arith.constant 128 : i32
      %mul3A_752 = arith.muli %add3A_750, %mul3A_751 : i32
      %dma_start3A_753 = arith.constant 1 : i32
      %dma_start3A_754 = arith.constant 0 : i32
      %dma_start3A_755 = arith.constant 0 : i32
      %dma_start3A_756 = tpu.memref_slice %arg6[%dma_start3A_753, %dma_start3A_754, %dma_start3A_755] : memref<5x128x128xf32, #tpu.memory_space<vmem>> -> memref<1x128x128xf32, #tpu.memory_space<vmem>>
      %dma_start3A_757 = tpu.memref_squeeze %dma_start3A_756 : memref<1x128x128xf32, #tpu.memory_space<vmem>> -> memref<128x128xf32, #tpu.memory_space<vmem>>
      %dma_start3A_758 = tpu.memref_slice %arg5[%mul3A_752] : memref<25600xi32, #tpu.memory_space<vmem>> -> memref<128xi32, #tpu.memory_space<vmem>>
      %dma_start3A_759 = arith.constant 0 : i32
      %dma_start3A_760 = arith.constant 0 : i32
      %dma_start3A_761 = tpu.memref_slice %arg3[%dma_start3A_759, %dma_start3A_760] : memref<100003x128xf32, #tpu.memory_space<hbm>> -> memref<100003x128xf32, #tpu.memory_space<hbm>>
      tpu.enqueue_indirect_dma source(%dma_start3A_761 : memref<100003x128xf32, #tpu.memory_space<hbm>>) target(%dma_start3A_757 : memref<128x128xf32, #tpu.memory_space<vmem>>) offsets(%dma_start3A_758 : memref<128xi32, #tpu.memory_space<vmem>>) semaphore(%arg8 : memref<!tpu.dma_semaphore, #tpu.memory_space<semaphore_mem>>)
      %mul3A_762 = arith.constant 5 : i32
      %mul3A_763 = arith.muli %scan3A_506, %mul3A_762 : i32
      %add3A_764 = arith.constant 4 : i32
      %add3A_765 = arith.addi %mul3A_763, %add3A_764 : i32
      %mul3A_766 = arith.constant 128 : i32
      %mul3A_767 = arith.muli %add3A_765, %mul3A_766 : i32
      %dma_wait3A_768 = arith.constant 4 : i32
      %dma_wait3A_769 = arith.constant 0 : i32
      %dma_wait3A_770 = arith.constant 0 : i32
      %dma_wait3A_771 = tpu.memref_slice %arg6[%dma_wait3A_768, %dma_wait3A_769, %dma_wait3A_770] : memref<5x128x128xf32, #tpu.memory_space<vmem>> -> memref<1x128x128xf32, #tpu.memory_space<vmem>>
      %dma_wait3A_772 = tpu.memref_squeeze %dma_wait3A_771 : memref<1x128x128xf32, #tpu.memory_space<vmem>> -> memref<128x128xf32, #tpu.memory_space<vmem>>
      %dma_wait3A_773 = tpu.memref_slice %arg5[%mul3A_767] : memref<25600xi32, #tpu.memory_space<vmem>> -> memref<128xi32, #tpu.memory_space<vmem>>
      %dma_wait3A_774 = arith.constant 0 : i32
      %dma_wait3A_775 = arith.constant 0 : i32
      %dma_wait3A_776 = tpu.memref_slice %arg3[%dma_wait3A_774, %dma_wait3A_775] : memref<100003x128xf32, #tpu.memory_space<hbm>> -> memref<100003x128xf32, #tpu.memory_space<hbm>>
      tpu.wait_indirect_dma semaphore(%arg11 : memref<!tpu.dma_semaphore, #tpu.memory_space<semaphore_mem>>) src(%dma_wait3A_776 : memref<100003x128xf32, #tpu.memory_space<hbm>>) dst(%dma_wait3A_772 : memref<128x128xf32, #tpu.memory_space<vmem>>)
      %mul3A_777 = arith.constant 128 : i32
      %mul3A_778 = arith.muli %add3A_765, %mul3A_777 : i32
      %add3A_779 = arith.addi %mul3A_2, %mul3A_778 : i32
      %dma_start3A_780 = arith.constant 4 : i32
      %dma_start3A_781 = arith.constant 0 : i32
      %dma_start3A_782 = arith.constant 0 : i32
      %dma_start3A_783 = tpu.memref_slice %arg6[%dma_start3A_780, %dma_start3A_781, %dma_start3A_782] : memref<5x128x128xf32, #tpu.memory_space<vmem>> -> memref<1x128x128xf32, #tpu.memory_space<vmem>>
      %dma_start3A_784 = tpu.memref_squeeze %dma_start3A_783 : memref<1x128x128xf32, #tpu.memory_space<vmem>> -> memref<128x128xf32, #tpu.memory_space<vmem>>
      %dma_start3A_785 = arith.constant 0 : i32
      %dma_start3A_786 = tpu.memref_slice %arg4[%add3A_779, %dma_start3A_785] : memref<819200x128xf32, #tpu.memory_space<hbm>> -> memref<128x128xf32, #tpu.memory_space<hbm>>
      %dma_start3A_787 = arith.constant 0 : i32
      %dma_start3A_788 = tpu.memref_slice %arg4[%add3A_779, %dma_start3A_787] : memref<819200x128xf32, #tpu.memory_space<hbm>> -> memref<128x128xf32, #tpu.memory_space<hbm>>
      %dma_start3A_789 = arith.constant 0 : i32
      %dma_start3A_790 = arith.constant 0 : i32
      %dma_start3A_791 = tpu.memref_slice %arg6[%dma_start3A_780, %dma_start3A_789, %dma_start3A_790] : memref<5x128x128xf32, #tpu.memory_space<vmem>> -> memref<1x128x128xf32, #tpu.memory_space<vmem>>
      %dma_start3A_792 = tpu.memref_squeeze %dma_start3A_791 : memref<1x128x128xf32, #tpu.memory_space<vmem>> -> memref<128x128xf32, #tpu.memory_space<vmem>>
      tpu.enqueue_dma source(%dma_start3A_792 : memref<128x128xf32, #tpu.memory_space<vmem>>) target(%dma_start3A_788 : memref<128x128xf32, #tpu.memory_space<hbm>>) target_semaphore(%arg16 : memref<!tpu.dma_semaphore, #tpu.memory_space<semaphore_mem>>)
      %add3A_793 = arith.constant 3 : i32
      %add3A_794 = arith.addi %add3A_765, %add3A_793 : i32
      %sub3A_795 = arith.constant 5 : i32
      %sub3A_796 = arith.subi %add3A_794, %sub3A_795 : i32
      %mul3A_797 = arith.constant 128 : i32
      %mul3A_798 = arith.muli %sub3A_796, %mul3A_797 : i32
      %add3A_799 = arith.addi %mul3A_2, %mul3A_798 : i32
      %dma_wait3A_800 = arith.constant 2 : i32
      %dma_wait3A_801 = arith.constant 0 : i32
      %dma_wait3A_802 = arith.constant 0 : i32
      %dma_wait3A_803 = tpu.memref_slice %arg6[%dma_wait3A_800, %dma_wait3A_801, %dma_wait3A_802] : memref<5x128x128xf32, #tpu.memory_space<vmem>> -> memref<1x128x128xf32, #tpu.memory_space<vmem>>
      %dma_wait3A_804 = tpu.memref_squeeze %dma_wait3A_803 : memref<1x128x128xf32, #tpu.memory_space<vmem>> -> memref<128x128xf32, #tpu.memory_space<vmem>>
      %dma_wait3A_805 = arith.constant 0 : i32
      %dma_wait3A_806 = tpu.memref_slice %arg4[%add3A_799, %dma_wait3A_805] : memref<819200x128xf32, #tpu.memory_space<hbm>> -> memref<128x128xf32, #tpu.memory_space<hbm>>
      %dma_wait3A_807 = arith.constant 0 : i32
      %dma_wait3A_808 = tpu.memref_slice %arg4[%add3A_799, %dma_wait3A_807] : memref<819200x128xf32, #tpu.memory_space<hbm>> -> memref<128x128xf32, #tpu.memory_space<hbm>>
      %dma_wait3A_809 = arith.constant 0 : i32
      %dma_wait3A_810 = arith.constant 0 : i32
      %dma_wait3A_811 = tpu.memref_slice %arg6[%dma_wait3A_800, %dma_wait3A_809, %dma_wait3A_810] : memref<5x128x128xf32, #tpu.memory_space<vmem>> -> memref<1x128x128xf32, #tpu.memory_space<vmem>>
      %dma_wait3A_812 = tpu.memref_squeeze %dma_wait3A_811 : memref<1x128x128xf32, #tpu.memory_space<vmem>> -> memref<128x128xf32, #tpu.memory_space<vmem>>
      tpu.wait_dma2 semaphore(%arg14 : memref<!tpu.dma_semaphore, #tpu.memory_space<semaphore_mem>>) src(%dma_wait3A_812 : memref<128x128xf32, #tpu.memory_space<vmem>>) dst(%dma_wait3A_808 : memref<128x128xf32, #tpu.memory_space<hbm>>)
      %add3A_813 = arith.constant 3 : i32
      %add3A_814 = arith.addi %add3A_765, %add3A_813 : i32
      %mul3A_815 = arith.constant 128 : i32
      %mul3A_816 = arith.muli %add3A_814, %mul3A_815 : i32
      %dma_start3A_817 = arith.constant 2 : i32
      %dma_start3A_818 = arith.constant 0 : i32
      %dma_start3A_819 = arith.constant 0 : i32
      %dma_start3A_820 = tpu.memref_slice %arg6[%dma_start3A_817, %dma_start3A_818, %dma_start3A_819] : memref<5x128x128xf32, #tpu.memory_space<vmem>> -> memref<1x128x128xf32, #tpu.memory_space<vmem>>
      %dma_start3A_821 = tpu.memref_squeeze %dma_start3A_820 : memref<1x128x128xf32, #tpu.memory_space<vmem>> -> memref<128x128xf32, #tpu.memory_space<vmem>>
      %dma_start3A_822 = tpu.memref_slice %arg5[%mul3A_816] : memref<25600xi32, #tpu.memory_space<vmem>> -> memref<128xi32, #tpu.memory_space<vmem>>
      %dma_start3A_823 = arith.constant 0 : i32
      %dma_start3A_824 = arith.constant 0 : i32
      %dma_start3A_825 = tpu.memref_slice %arg3[%dma_start3A_823, %dma_start3A_824] : memref<100003x128xf32, #tpu.memory_space<hbm>> -> memref<100003x128xf32, #tpu.memory_space<hbm>>
      tpu.enqueue_indirect_dma source(%dma_start3A_825 : memref<100003x128xf32, #tpu.memory_space<hbm>>) target(%dma_start3A_821 : memref<128x128xf32, #tpu.memory_space<vmem>>) offsets(%dma_start3A_822 : memref<128xi32, #tpu.memory_space<vmem>>) semaphore(%arg9 : memref<!tpu.dma_semaphore, #tpu.memory_space<semaphore_mem>>)
    }
    %scan3A_255 = arith.constant 38 : i32
    %dma_wait3A_256 = arith.constant 0 : i32
    %dma_wait3A_257 = arith.constant 0 : i32
    %dma_wait3A_258 = arith.constant 0 : i32
    %dma_wait3A_259 = tpu.memref_slice %arg6[%dma_wait3A_256, %dma_wait3A_257, %dma_wait3A_258] : memref<5x128x128xf32, #tpu.memory_space<vmem>> -> memref<1x128x128xf32, #tpu.memory_space<vmem>>
    %dma_wait3A_260 = tpu.memref_squeeze %dma_wait3A_259 : memref<1x128x128xf32, #tpu.memory_space<vmem>> -> memref<128x128xf32, #tpu.memory_space<vmem>>
    %dma_wait3A_261 = arith.constant 24960 : i32
    %dma_wait3A_262 = tpu.memref_slice %arg5[%dma_wait3A_261] : memref<25600xi32, #tpu.memory_space<vmem>> -> memref<128xi32, #tpu.memory_space<vmem>>
    %dma_wait3A_263 = arith.constant 0 : i32
    %dma_wait3A_264 = arith.constant 0 : i32
    %dma_wait3A_265 = tpu.memref_slice %arg3[%dma_wait3A_263, %dma_wait3A_264] : memref<100003x128xf32, #tpu.memory_space<hbm>> -> memref<100003x128xf32, #tpu.memory_space<hbm>>
    tpu.wait_indirect_dma semaphore(%arg7 : memref<!tpu.dma_semaphore, #tpu.memory_space<semaphore_mem>>) src(%dma_wait3A_265 : memref<100003x128xf32, #tpu.memory_space<hbm>>) dst(%dma_wait3A_260 : memref<128x128xf32, #tpu.memory_space<vmem>>)
    %add3A_266 = arith.constant 24960 : i32
    %add3A_267 = arith.addi %mul3A_2, %add3A_266 : i32
    %dma_start3A_268 = arith.constant 0 : i32
    %dma_start3A_269 = arith.constant 0 : i32
    %dma_start3A_270 = arith.constant 0 : i32
    %dma_start3A_271 = tpu.memref_slice %arg6[%dma_start3A_268, %dma_start3A_269, %dma_start3A_270] : memref<5x128x128xf32, #tpu.memory_space<vmem>> -> memref<1x128x128xf32, #tpu.memory_space<vmem>>
    %dma_start3A_272 = tpu.memref_squeeze %dma_start3A_271 : memref<1x128x128xf32, #tpu.memory_space<vmem>> -> memref<128x128xf32, #tpu.memory_space<vmem>>
    %dma_start3A_273 = arith.constant 0 : i32
    %dma_start3A_274 = tpu.memref_slice %arg4[%add3A_267, %dma_start3A_273] : memref<819200x128xf32, #tpu.memory_space<hbm>> -> memref<128x128xf32, #tpu.memory_space<hbm>>
    %dma_start3A_275 = arith.constant 0 : i32
    %dma_start3A_276 = tpu.memref_slice %arg4[%add3A_267, %dma_start3A_275] : memref<819200x128xf32, #tpu.memory_space<hbm>> -> memref<128x128xf32, #tpu.memory_space<hbm>>
    %dma_start3A_277 = arith.constant 0 : i32
    %dma_start3A_278 = arith.constant 0 : i32
    %dma_start3A_279 = tpu.memref_slice %arg6[%dma_start3A_268, %dma_start3A_277, %dma_start3A_278] : memref<5x128x128xf32, #tpu.memory_space<vmem>> -> memref<1x128x128xf32, #tpu.memory_space<vmem>>
    %dma_start3A_280 = tpu.memref_squeeze %dma_start3A_279 : memref<1x128x128xf32, #tpu.memory_space<vmem>> -> memref<128x128xf32, #tpu.memory_space<vmem>>
    tpu.enqueue_dma source(%dma_start3A_280 : memref<128x128xf32, #tpu.memory_space<vmem>>) target(%dma_start3A_276 : memref<128x128xf32, #tpu.memory_space<hbm>>) target_semaphore(%arg12 : memref<!tpu.dma_semaphore, #tpu.memory_space<semaphore_mem>>)
    %add3A_281 = arith.constant 24704 : i32
    %add3A_282 = arith.addi %mul3A_2, %add3A_281 : i32
    %dma_wait3A_283 = arith.constant 3 : i32
    %dma_wait3A_284 = arith.constant 0 : i32
    %dma_wait3A_285 = arith.constant 0 : i32
    %dma_wait3A_286 = tpu.memref_slice %arg6[%dma_wait3A_283, %dma_wait3A_284, %dma_wait3A_285] : memref<5x128x128xf32, #tpu.memory_space<vmem>> -> memref<1x128x128xf32, #tpu.memory_space<vmem>>
    %dma_wait3A_287 = tpu.memref_squeeze %dma_wait3A_286 : memref<1x128x128xf32, #tpu.memory_space<vmem>> -> memref<128x128xf32, #tpu.memory_space<vmem>>
    %dma_wait3A_288 = arith.constant 0 : i32
    %dma_wait3A_289 = tpu.memref_slice %arg4[%add3A_282, %dma_wait3A_288] : memref<819200x128xf32, #tpu.memory_space<hbm>> -> memref<128x128xf32, #tpu.memory_space<hbm>>
    %dma_wait3A_290 = arith.constant 0 : i32
    %dma_wait3A_291 = tpu.memref_slice %arg4[%add3A_282, %dma_wait3A_290] : memref<819200x128xf32, #tpu.memory_space<hbm>> -> memref<128x128xf32, #tpu.memory_space<hbm>>
    %dma_wait3A_292 = arith.constant 0 : i32
    %dma_wait3A_293 = arith.constant 0 : i32
    %dma_wait3A_294 = tpu.memref_slice %arg6[%dma_wait3A_283, %dma_wait3A_292, %dma_wait3A_293] : memref<5x128x128xf32, #tpu.memory_space<vmem>> -> memref<1x128x128xf32, #tpu.memory_space<vmem>>
    %dma_wait3A_295 = tpu.memref_squeeze %dma_wait3A_294 : memref<1x128x128xf32, #tpu.memory_space<vmem>> -> memref<128x128xf32, #tpu.memory_space<vmem>>
    tpu.wait_dma2 semaphore(%arg15 : memref<!tpu.dma_semaphore, #tpu.memory_space<semaphore_mem>>) src(%dma_wait3A_295 : memref<128x128xf32, #tpu.memory_space<vmem>>) dst(%dma_wait3A_291 : memref<128x128xf32, #tpu.memory_space<hbm>>)
    %dma_start3A_296 = arith.constant 3 : i32
    %dma_start3A_297 = arith.constant 0 : i32
    %dma_start3A_298 = arith.constant 0 : i32
    %dma_start3A_299 = tpu.memref_slice %arg6[%dma_start3A_296, %dma_start3A_297, %dma_start3A_298] : memref<5x128x128xf32, #tpu.memory_space<vmem>> -> memref<1x128x128xf32, #tpu.memory_space<vmem>>
    %dma_start3A_300 = tpu.memref_squeeze %dma_start3A_299 : memref<1x128x128xf32, #tpu.memory_space<vmem>> -> memref<128x128xf32, #tpu.memory_space<vmem>>
    %dma_start3A_301 = arith.constant 25344 : i32
    %dma_start3A_302 = tpu.memref_slice %arg5[%dma_start3A_301] : memref<25600xi32, #tpu.memory_space<vmem>> -> memref<128xi32, #tpu.memory_space<vmem>>
    %dma_start3A_303 = arith.constant 0 : i32
    %dma_start3A_304 = arith.constant 0 : i32
    %dma_start3A_305 = tpu.memref_slice %arg3[%dma_start3A_303, %dma_start3A_304] : memref<100003x128xf32, #tpu.memory_space<hbm>> -> memref<100003x128xf32, #tpu.memory_space<hbm>>
    tpu.enqueue_indirect_dma source(%dma_start3A_305 : memref<100003x128xf32, #tpu.memory_space<hbm>>) target(%dma_start3A_300 : memref<128x128xf32, #tpu.memory_space<vmem>>) offsets(%dma_start3A_302 : memref<128xi32, #tpu.memory_space<vmem>>) semaphore(%arg10 : memref<!tpu.dma_semaphore, #tpu.memory_space<semaphore_mem>>)
    %dma_wait3A_306 = arith.constant 1 : i32
    %dma_wait3A_307 = arith.constant 0 : i32
    %dma_wait3A_308 = arith.constant 0 : i32
    %dma_wait3A_309 = tpu.memref_slice %arg6[%dma_wait3A_306, %dma_wait3A_307, %dma_wait3A_308] : memref<5x128x128xf32, #tpu.memory_space<vmem>> -> memref<1x128x128xf32, #tpu.memory_space<vmem>>
    %dma_wait3A_310 = tpu.memref_squeeze %dma_wait3A_309 : memref<1x128x128xf32, #tpu.memory_space<vmem>> -> memref<128x128xf32, #tpu.memory_space<vmem>>
    %dma_wait3A_311 = arith.constant 25088 : i32
    %dma_wait3A_312 = tpu.memref_slice %arg5[%dma_wait3A_311] : memref<25600xi32, #tpu.memory_space<vmem>> -> memref<128xi32, #tpu.memory_space<vmem>>
    %dma_wait3A_313 = arith.constant 0 : i32
    %dma_wait3A_314 = arith.constant 0 : i32
    %dma_wait3A_315 = tpu.memref_slice %arg3[%dma_wait3A_313, %dma_wait3A_314] : memref<100003x128xf32, #tpu.memory_space<hbm>> -> memref<100003x128xf32, #tpu.memory_space<hbm>>
    tpu.wait_indirect_dma semaphore(%arg8 : memref<!tpu.dma_semaphore, #tpu.memory_space<semaphore_mem>>) src(%dma_wait3A_315 : memref<100003x128xf32, #tpu.memory_space<hbm>>) dst(%dma_wait3A_310 : memref<128x128xf32, #tpu.memory_space<vmem>>)
    %add3A_316 = arith.constant 25088 : i32
    %add3A_317 = arith.addi %mul3A_2, %add3A_316 : i32
    %dma_start3A_318 = arith.constant 1 : i32
    %dma_start3A_319 = arith.constant 0 : i32
    %dma_start3A_320 = arith.constant 0 : i32
    %dma_start3A_321 = tpu.memref_slice %arg6[%dma_start3A_318, %dma_start3A_319, %dma_start3A_320] : memref<5x128x128xf32, #tpu.memory_space<vmem>> -> memref<1x128x128xf32, #tpu.memory_space<vmem>>
    %dma_start3A_322 = tpu.memref_squeeze %dma_start3A_321 : memref<1x128x128xf32, #tpu.memory_space<vmem>> -> memref<128x128xf32, #tpu.memory_space<vmem>>
    %dma_start3A_323 = arith.constant 0 : i32
    %dma_start3A_324 = tpu.memref_slice %arg4[%add3A_317, %dma_start3A_323] : memref<819200x128xf32, #tpu.memory_space<hbm>> -> memref<128x128xf32, #tpu.memory_space<hbm>>
    %dma_start3A_325 = arith.constant 0 : i32
    %dma_start3A_326 = tpu.memref_slice %arg4[%add3A_317, %dma_start3A_325] : memref<819200x128xf32, #tpu.memory_space<hbm>> -> memref<128x128xf32, #tpu.memory_space<hbm>>
    %dma_start3A_327 = arith.constant 0 : i32
    %dma_start3A_328 = arith.constant 0 : i32
    %dma_start3A_329 = tpu.memref_slice %arg6[%dma_start3A_318, %dma_start3A_327, %dma_start3A_328] : memref<5x128x128xf32, #tpu.memory_space<vmem>> -> memref<1x128x128xf32, #tpu.memory_space<vmem>>
    %dma_start3A_330 = tpu.memref_squeeze %dma_start3A_329 : memref<1x128x128xf32, #tpu.memory_space<vmem>> -> memref<128x128xf32, #tpu.memory_space<vmem>>
    tpu.enqueue_dma source(%dma_start3A_330 : memref<128x128xf32, #tpu.memory_space<vmem>>) target(%dma_start3A_326 : memref<128x128xf32, #tpu.memory_space<hbm>>) target_semaphore(%arg13 : memref<!tpu.dma_semaphore, #tpu.memory_space<semaphore_mem>>)
    %add3A_331 = arith.constant 24832 : i32
    %add3A_332 = arith.addi %mul3A_2, %add3A_331 : i32
    %dma_wait3A_333 = arith.constant 4 : i32
    %dma_wait3A_334 = arith.constant 0 : i32
    %dma_wait3A_335 = arith.constant 0 : i32
    %dma_wait3A_336 = tpu.memref_slice %arg6[%dma_wait3A_333, %dma_wait3A_334, %dma_wait3A_335] : memref<5x128x128xf32, #tpu.memory_space<vmem>> -> memref<1x128x128xf32, #tpu.memory_space<vmem>>
    %dma_wait3A_337 = tpu.memref_squeeze %dma_wait3A_336 : memref<1x128x128xf32, #tpu.memory_space<vmem>> -> memref<128x128xf32, #tpu.memory_space<vmem>>
    %dma_wait3A_338 = arith.constant 0 : i32
    %dma_wait3A_339 = tpu.memref_slice %arg4[%add3A_332, %dma_wait3A_338] : memref<819200x128xf32, #tpu.memory_space<hbm>> -> memref<128x128xf32, #tpu.memory_space<hbm>>
    %dma_wait3A_340 = arith.constant 0 : i32
    %dma_wait3A_341 = tpu.memref_slice %arg4[%add3A_332, %dma_wait3A_340] : memref<819200x128xf32, #tpu.memory_space<hbm>> -> memref<128x128xf32, #tpu.memory_space<hbm>>
    %dma_wait3A_342 = arith.constant 0 : i32
    %dma_wait3A_343 = arith.constant 0 : i32
    %dma_wait3A_344 = tpu.memref_slice %arg6[%dma_wait3A_333, %dma_wait3A_342, %dma_wait3A_343] : memref<5x128x128xf32, #tpu.memory_space<vmem>> -> memref<1x128x128xf32, #tpu.memory_space<vmem>>
    %dma_wait3A_345 = tpu.memref_squeeze %dma_wait3A_344 : memref<1x128x128xf32, #tpu.memory_space<vmem>> -> memref<128x128xf32, #tpu.memory_space<vmem>>
    tpu.wait_dma2 semaphore(%arg16 : memref<!tpu.dma_semaphore, #tpu.memory_space<semaphore_mem>>) src(%dma_wait3A_345 : memref<128x128xf32, #tpu.memory_space<vmem>>) dst(%dma_wait3A_341 : memref<128x128xf32, #tpu.memory_space<hbm>>)
    %dma_start3A_346 = arith.constant 4 : i32
    %dma_start3A_347 = arith.constant 0 : i32
    %dma_start3A_348 = arith.constant 0 : i32
    %dma_start3A_349 = tpu.memref_slice %arg6[%dma_start3A_346, %dma_start3A_347, %dma_start3A_348] : memref<5x128x128xf32, #tpu.memory_space<vmem>> -> memref<1x128x128xf32, #tpu.memory_space<vmem>>
    %dma_start3A_350 = tpu.memref_squeeze %dma_start3A_349 : memref<1x128x128xf32, #tpu.memory_space<vmem>> -> memref<128x128xf32, #tpu.memory_space<vmem>>
    %dma_start3A_351 = arith.constant 25472 : i32
    %dma_start3A_352 = tpu.memref_slice %arg5[%dma_start3A_351] : memref<25600xi32, #tpu.memory_space<vmem>> -> memref<128xi32, #tpu.memory_space<vmem>>
    %dma_start3A_353 = arith.constant 0 : i32
    %dma_start3A_354 = arith.constant 0 : i32
    %dma_start3A_355 = tpu.memref_slice %arg3[%dma_start3A_353, %dma_start3A_354] : memref<100003x128xf32, #tpu.memory_space<hbm>> -> memref<100003x128xf32, #tpu.memory_space<hbm>>
    tpu.enqueue_indirect_dma source(%dma_start3A_355 : memref<100003x128xf32, #tpu.memory_space<hbm>>) target(%dma_start3A_350 : memref<128x128xf32, #tpu.memory_space<vmem>>) offsets(%dma_start3A_352 : memref<128xi32, #tpu.memory_space<vmem>>) semaphore(%arg11 : memref<!tpu.dma_semaphore, #tpu.memory_space<semaphore_mem>>)
    %dma_wait3A_356 = arith.constant 2 : i32
    %dma_wait3A_357 = arith.constant 0 : i32
    %dma_wait3A_358 = arith.constant 0 : i32
    %dma_wait3A_359 = tpu.memref_slice %arg6[%dma_wait3A_356, %dma_wait3A_357, %dma_wait3A_358] : memref<5x128x128xf32, #tpu.memory_space<vmem>> -> memref<1x128x128xf32, #tpu.memory_space<vmem>>
    %dma_wait3A_360 = tpu.memref_squeeze %dma_wait3A_359 : memref<1x128x128xf32, #tpu.memory_space<vmem>> -> memref<128x128xf32, #tpu.memory_space<vmem>>
    %dma_wait3A_361 = arith.constant 25216 : i32
    %dma_wait3A_362 = tpu.memref_slice %arg5[%dma_wait3A_361] : memref<25600xi32, #tpu.memory_space<vmem>> -> memref<128xi32, #tpu.memory_space<vmem>>
    %dma_wait3A_363 = arith.constant 0 : i32
    %dma_wait3A_364 = arith.constant 0 : i32
    %dma_wait3A_365 = tpu.memref_slice %arg3[%dma_wait3A_363, %dma_wait3A_364] : memref<100003x128xf32, #tpu.memory_space<hbm>> -> memref<100003x128xf32, #tpu.memory_space<hbm>>
    tpu.wait_indirect_dma semaphore(%arg9 : memref<!tpu.dma_semaphore, #tpu.memory_space<semaphore_mem>>) src(%dma_wait3A_365 : memref<100003x128xf32, #tpu.memory_space<hbm>>) dst(%dma_wait3A_360 : memref<128x128xf32, #tpu.memory_space<vmem>>)
    %add3A_366 = arith.constant 25216 : i32
    %add3A_367 = arith.addi %mul3A_2, %add3A_366 : i32
    %dma_start3A_368 = arith.constant 2 : i32
    %dma_start3A_369 = arith.constant 0 : i32
    %dma_start3A_370 = arith.constant 0 : i32
    %dma_start3A_371 = tpu.memref_slice %arg6[%dma_start3A_368, %dma_start3A_369, %dma_start3A_370] : memref<5x128x128xf32, #tpu.memory_space<vmem>> -> memref<1x128x128xf32, #tpu.memory_space<vmem>>
    %dma_start3A_372 = tpu.memref_squeeze %dma_start3A_371 : memref<1x128x128xf32, #tpu.memory_space<vmem>> -> memref<128x128xf32, #tpu.memory_space<vmem>>
    %dma_start3A_373 = arith.constant 0 : i32
    %dma_start3A_374 = tpu.memref_slice %arg4[%add3A_367, %dma_start3A_373] : memref<819200x128xf32, #tpu.memory_space<hbm>> -> memref<128x128xf32, #tpu.memory_space<hbm>>
    %dma_start3A_375 = arith.constant 0 : i32
    %dma_start3A_376 = tpu.memref_slice %arg4[%add3A_367, %dma_start3A_375] : memref<819200x128xf32, #tpu.memory_space<hbm>> -> memref<128x128xf32, #tpu.memory_space<hbm>>
    %dma_start3A_377 = arith.constant 0 : i32
    %dma_start3A_378 = arith.constant 0 : i32
    %dma_start3A_379 = tpu.memref_slice %arg6[%dma_start3A_368, %dma_start3A_377, %dma_start3A_378] : memref<5x128x128xf32, #tpu.memory_space<vmem>> -> memref<1x128x128xf32, #tpu.memory_space<vmem>>
    %dma_start3A_380 = tpu.memref_squeeze %dma_start3A_379 : memref<1x128x128xf32, #tpu.memory_space<vmem>> -> memref<128x128xf32, #tpu.memory_space<vmem>>
    tpu.enqueue_dma source(%dma_start3A_380 : memref<128x128xf32, #tpu.memory_space<vmem>>) target(%dma_start3A_376 : memref<128x128xf32, #tpu.memory_space<hbm>>) target_semaphore(%arg14 : memref<!tpu.dma_semaphore, #tpu.memory_space<semaphore_mem>>)
    %dma_wait3A_381 = arith.constant 3 : i32
    %dma_wait3A_382 = arith.constant 0 : i32
    %dma_wait3A_383 = arith.constant 0 : i32
    %dma_wait3A_384 = tpu.memref_slice %arg6[%dma_wait3A_381, %dma_wait3A_382, %dma_wait3A_383] : memref<5x128x128xf32, #tpu.memory_space<vmem>> -> memref<1x128x128xf32, #tpu.memory_space<vmem>>
    %dma_wait3A_385 = tpu.memref_squeeze %dma_wait3A_384 : memref<1x128x128xf32, #tpu.memory_space<vmem>> -> memref<128x128xf32, #tpu.memory_space<vmem>>
    %dma_wait3A_386 = arith.constant 25344 : i32
    %dma_wait3A_387 = tpu.memref_slice %arg5[%dma_wait3A_386] : memref<25600xi32, #tpu.memory_space<vmem>> -> memref<128xi32, #tpu.memory_space<vmem>>
    %dma_wait3A_388 = arith.constant 0 : i32
    %dma_wait3A_389 = arith.constant 0 : i32
    %dma_wait3A_390 = tpu.memref_slice %arg3[%dma_wait3A_388, %dma_wait3A_389] : memref<100003x128xf32, #tpu.memory_space<hbm>> -> memref<100003x128xf32, #tpu.memory_space<hbm>>
    tpu.wait_indirect_dma semaphore(%arg10 : memref<!tpu.dma_semaphore, #tpu.memory_space<semaphore_mem>>) src(%dma_wait3A_390 : memref<100003x128xf32, #tpu.memory_space<hbm>>) dst(%dma_wait3A_385 : memref<128x128xf32, #tpu.memory_space<vmem>>)
    %add3A_391 = arith.constant 25344 : i32
    %add3A_392 = arith.addi %mul3A_2, %add3A_391 : i32
    %dma_start3A_393 = arith.constant 3 : i32
    %dma_start3A_394 = arith.constant 0 : i32
    %dma_start3A_395 = arith.constant 0 : i32
    %dma_start3A_396 = tpu.memref_slice %arg6[%dma_start3A_393, %dma_start3A_394, %dma_start3A_395] : memref<5x128x128xf32, #tpu.memory_space<vmem>> -> memref<1x128x128xf32, #tpu.memory_space<vmem>>
    %dma_start3A_397 = tpu.memref_squeeze %dma_start3A_396 : memref<1x128x128xf32, #tpu.memory_space<vmem>> -> memref<128x128xf32, #tpu.memory_space<vmem>>
    %dma_start3A_398 = arith.constant 0 : i32
    %dma_start3A_399 = tpu.memref_slice %arg4[%add3A_392, %dma_start3A_398] : memref<819200x128xf32, #tpu.memory_space<hbm>> -> memref<128x128xf32, #tpu.memory_space<hbm>>
    %dma_start3A_400 = arith.constant 0 : i32
    %dma_start3A_401 = tpu.memref_slice %arg4[%add3A_392, %dma_start3A_400] : memref<819200x128xf32, #tpu.memory_space<hbm>> -> memref<128x128xf32, #tpu.memory_space<hbm>>
    %dma_start3A_402 = arith.constant 0 : i32
    %dma_start3A_403 = arith.constant 0 : i32
    %dma_start3A_404 = tpu.memref_slice %arg6[%dma_start3A_393, %dma_start3A_402, %dma_start3A_403] : memref<5x128x128xf32, #tpu.memory_space<vmem>> -> memref<1x128x128xf32, #tpu.memory_space<vmem>>
    %dma_start3A_405 = tpu.memref_squeeze %dma_start3A_404 : memref<1x128x128xf32, #tpu.memory_space<vmem>> -> memref<128x128xf32, #tpu.memory_space<vmem>>
    tpu.enqueue_dma source(%dma_start3A_405 : memref<128x128xf32, #tpu.memory_space<vmem>>) target(%dma_start3A_401 : memref<128x128xf32, #tpu.memory_space<hbm>>) target_semaphore(%arg15 : memref<!tpu.dma_semaphore, #tpu.memory_space<semaphore_mem>>)
    %dma_wait3A_406 = arith.constant 4 : i32
    %dma_wait3A_407 = arith.constant 0 : i32
    %dma_wait3A_408 = arith.constant 0 : i32
    %dma_wait3A_409 = tpu.memref_slice %arg6[%dma_wait3A_406, %dma_wait3A_407, %dma_wait3A_408] : memref<5x128x128xf32, #tpu.memory_space<vmem>> -> memref<1x128x128xf32, #tpu.memory_space<vmem>>
    %dma_wait3A_410 = tpu.memref_squeeze %dma_wait3A_409 : memref<1x128x128xf32, #tpu.memory_space<vmem>> -> memref<128x128xf32, #tpu.memory_space<vmem>>
    %dma_wait3A_411 = arith.constant 25472 : i32
    %dma_wait3A_412 = tpu.memref_slice %arg5[%dma_wait3A_411] : memref<25600xi32, #tpu.memory_space<vmem>> -> memref<128xi32, #tpu.memory_space<vmem>>
    %dma_wait3A_413 = arith.constant 0 : i32
    %dma_wait3A_414 = arith.constant 0 : i32
    %dma_wait3A_415 = tpu.memref_slice %arg3[%dma_wait3A_413, %dma_wait3A_414] : memref<100003x128xf32, #tpu.memory_space<hbm>> -> memref<100003x128xf32, #tpu.memory_space<hbm>>
    tpu.wait_indirect_dma semaphore(%arg11 : memref<!tpu.dma_semaphore, #tpu.memory_space<semaphore_mem>>) src(%dma_wait3A_415 : memref<100003x128xf32, #tpu.memory_space<hbm>>) dst(%dma_wait3A_410 : memref<128x128xf32, #tpu.memory_space<vmem>>)
    %add3A_416 = arith.constant 25472 : i32
    %add3A_417 = arith.addi %mul3A_2, %add3A_416 : i32
    %dma_start3A_418 = arith.constant 4 : i32
    %dma_start3A_419 = arith.constant 0 : i32
    %dma_start3A_420 = arith.constant 0 : i32
    %dma_start3A_421 = tpu.memref_slice %arg6[%dma_start3A_418, %dma_start3A_419, %dma_start3A_420] : memref<5x128x128xf32, #tpu.memory_space<vmem>> -> memref<1x128x128xf32, #tpu.memory_space<vmem>>
    %dma_start3A_422 = tpu.memref_squeeze %dma_start3A_421 : memref<1x128x128xf32, #tpu.memory_space<vmem>> -> memref<128x128xf32, #tpu.memory_space<vmem>>
    %dma_start3A_423 = arith.constant 0 : i32
    %dma_start3A_424 = tpu.memref_slice %arg4[%add3A_417, %dma_start3A_423] : memref<819200x128xf32, #tpu.memory_space<hbm>> -> memref<128x128xf32, #tpu.memory_space<hbm>>
    %dma_start3A_425 = arith.constant 0 : i32
    %dma_start3A_426 = tpu.memref_slice %arg4[%add3A_417, %dma_start3A_425] : memref<819200x128xf32, #tpu.memory_space<hbm>> -> memref<128x128xf32, #tpu.memory_space<hbm>>
    %dma_start3A_427 = arith.constant 0 : i32
    %dma_start3A_428 = arith.constant 0 : i32
    %dma_start3A_429 = tpu.memref_slice %arg6[%dma_start3A_418, %dma_start3A_427, %dma_start3A_428] : memref<5x128x128xf32, #tpu.memory_space<vmem>> -> memref<1x128x128xf32, #tpu.memory_space<vmem>>
    %dma_start3A_430 = tpu.memref_squeeze %dma_start3A_429 : memref<1x128x128xf32, #tpu.memory_space<vmem>> -> memref<128x128xf32, #tpu.memory_space<vmem>>
    tpu.enqueue_dma source(%dma_start3A_430 : memref<128x128xf32, #tpu.memory_space<vmem>>) target(%dma_start3A_426 : memref<128x128xf32, #tpu.memory_space<hbm>>) target_semaphore(%arg16 : memref<!tpu.dma_semaphore, #tpu.memory_space<semaphore_mem>>)
    %add3A_431 = arith.constant 24960 : i32
    %add3A_432 = arith.addi %mul3A_2, %add3A_431 : i32
    %dma_wait3A_433 = arith.constant 0 : i32
    %dma_wait3A_434 = arith.constant 0 : i32
    %dma_wait3A_435 = arith.constant 0 : i32
    %dma_wait3A_436 = tpu.memref_slice %arg6[%dma_wait3A_433, %dma_wait3A_434, %dma_wait3A_435] : memref<5x128x128xf32, #tpu.memory_space<vmem>> -> memref<1x128x128xf32, #tpu.memory_space<vmem>>
    %dma_wait3A_437 = tpu.memref_squeeze %dma_wait3A_436 : memref<1x128x128xf32, #tpu.memory_space<vmem>> -> memref<128x128xf32, #tpu.memory_space<vmem>>
    %dma_wait3A_438 = arith.constant 0 : i32
    %dma_wait3A_439 = tpu.memref_slice %arg4[%add3A_432, %dma_wait3A_438] : memref<819200x128xf32, #tpu.memory_space<hbm>> -> memref<128x128xf32, #tpu.memory_space<hbm>>
    %dma_wait3A_440 = arith.constant 0 : i32
    %dma_wait3A_441 = tpu.memref_slice %arg4[%add3A_432, %dma_wait3A_440] : memref<819200x128xf32, #tpu.memory_space<hbm>> -> memref<128x128xf32, #tpu.memory_space<hbm>>
    %dma_wait3A_442 = arith.constant 0 : i32
    %dma_wait3A_443 = arith.constant 0 : i32
    %dma_wait3A_444 = tpu.memref_slice %arg6[%dma_wait3A_433, %dma_wait3A_442, %dma_wait3A_443] : memref<5x128x128xf32, #tpu.memory_space<vmem>> -> memref<1x128x128xf32, #tpu.memory_space<vmem>>
    %dma_wait3A_445 = tpu.memref_squeeze %dma_wait3A_444 : memref<1x128x128xf32, #tpu.memory_space<vmem>> -> memref<128x128xf32, #tpu.memory_space<vmem>>
    tpu.wait_dma2 semaphore(%arg12 : memref<!tpu.dma_semaphore, #tpu.memory_space<semaphore_mem>>) src(%dma_wait3A_445 : memref<128x128xf32, #tpu.memory_space<vmem>>) dst(%dma_wait3A_441 : memref<128x128xf32, #tpu.memory_space<hbm>>)
    %add3A_446 = arith.constant 25088 : i32
    %add3A_447 = arith.addi %mul3A_2, %add3A_446 : i32
    %dma_wait3A_448 = arith.constant 1 : i32
    %dma_wait3A_449 = arith.constant 0 : i32
    %dma_wait3A_450 = arith.constant 0 : i32
    %dma_wait3A_451 = tpu.memref_slice %arg6[%dma_wait3A_448, %dma_wait3A_449, %dma_wait3A_450] : memref<5x128x128xf32, #tpu.memory_space<vmem>> -> memref<1x128x128xf32, #tpu.memory_space<vmem>>
    %dma_wait3A_452 = tpu.memref_squeeze %dma_wait3A_451 : memref<1x128x128xf32, #tpu.memory_space<vmem>> -> memref<128x128xf32, #tpu.memory_space<vmem>>
    %dma_wait3A_453 = arith.constant 0 : i32
    %dma_wait3A_454 = tpu.memref_slice %arg4[%add3A_447, %dma_wait3A_453] : memref<819200x128xf32, #tpu.memory_space<hbm>> -> memref<128x128xf32, #tpu.memory_space<hbm>>
    %dma_wait3A_455 = arith.constant 0 : i32
    %dma_wait3A_456 = tpu.memref_slice %arg4[%add3A_447, %dma_wait3A_455] : memref<819200x128xf32, #tpu.memory_space<hbm>> -> memref<128x128xf32, #tpu.memory_space<hbm>>
    %dma_wait3A_457 = arith.constant 0 : i32
    %dma_wait3A_458 = arith.constant 0 : i32
    %dma_wait3A_459 = tpu.memref_slice %arg6[%dma_wait3A_448, %dma_wait3A_457, %dma_wait3A_458] : memref<5x128x128xf32, #tpu.memory_space<vmem>> -> memref<1x128x128xf32, #tpu.memory_space<vmem>>
    %dma_wait3A_460 = tpu.memref_squeeze %dma_wait3A_459 : memref<1x128x128xf32, #tpu.memory_space<vmem>> -> memref<128x128xf32, #tpu.memory_space<vmem>>
    tpu.wait_dma2 semaphore(%arg13 : memref<!tpu.dma_semaphore, #tpu.memory_space<semaphore_mem>>) src(%dma_wait3A_460 : memref<128x128xf32, #tpu.memory_space<vmem>>) dst(%dma_wait3A_456 : memref<128x128xf32, #tpu.memory_space<hbm>>)
    %add3A_461 = arith.constant 25216 : i32
    %add3A_462 = arith.addi %mul3A_2, %add3A_461 : i32
    %dma_wait3A_463 = arith.constant 2 : i32
    %dma_wait3A_464 = arith.constant 0 : i32
    %dma_wait3A_465 = arith.constant 0 : i32
    %dma_wait3A_466 = tpu.memref_slice %arg6[%dma_wait3A_463, %dma_wait3A_464, %dma_wait3A_465] : memref<5x128x128xf32, #tpu.memory_space<vmem>> -> memref<1x128x128xf32, #tpu.memory_space<vmem>>
    %dma_wait3A_467 = tpu.memref_squeeze %dma_wait3A_466 : memref<1x128x128xf32, #tpu.memory_space<vmem>> -> memref<128x128xf32, #tpu.memory_space<vmem>>
    %dma_wait3A_468 = arith.constant 0 : i32
    %dma_wait3A_469 = tpu.memref_slice %arg4[%add3A_462, %dma_wait3A_468] : memref<819200x128xf32, #tpu.memory_space<hbm>> -> memref<128x128xf32, #tpu.memory_space<hbm>>
    %dma_wait3A_470 = arith.constant 0 : i32
    %dma_wait3A_471 = tpu.memref_slice %arg4[%add3A_462, %dma_wait3A_470] : memref<819200x128xf32, #tpu.memory_space<hbm>> -> memref<128x128xf32, #tpu.memory_space<hbm>>
    %dma_wait3A_472 = arith.constant 0 : i32
    %dma_wait3A_473 = arith.constant 0 : i32
    %dma_wait3A_474 = tpu.memref_slice %arg6[%dma_wait3A_463, %dma_wait3A_472, %dma_wait3A_473] : memref<5x128x128xf32, #tpu.memory_space<vmem>> -> memref<1x128x128xf32, #tpu.memory_space<vmem>>
    %dma_wait3A_475 = tpu.memref_squeeze %dma_wait3A_474 : memref<1x128x128xf32, #tpu.memory_space<vmem>> -> memref<128x128xf32, #tpu.memory_space<vmem>>
    tpu.wait_dma2 semaphore(%arg14 : memref<!tpu.dma_semaphore, #tpu.memory_space<semaphore_mem>>) src(%dma_wait3A_475 : memref<128x128xf32, #tpu.memory_space<vmem>>) dst(%dma_wait3A_471 : memref<128x128xf32, #tpu.memory_space<hbm>>)
    %add3A_476 = arith.constant 25344 : i32
    %add3A_477 = arith.addi %mul3A_2, %add3A_476 : i32
    %dma_wait3A_478 = arith.constant 3 : i32
    %dma_wait3A_479 = arith.constant 0 : i32
    %dma_wait3A_480 = arith.constant 0 : i32
    %dma_wait3A_481 = tpu.memref_slice %arg6[%dma_wait3A_478, %dma_wait3A_479, %dma_wait3A_480] : memref<5x128x128xf32, #tpu.memory_space<vmem>> -> memref<1x128x128xf32, #tpu.memory_space<vmem>>
    %dma_wait3A_482 = tpu.memref_squeeze %dma_wait3A_481 : memref<1x128x128xf32, #tpu.memory_space<vmem>> -> memref<128x128xf32, #tpu.memory_space<vmem>>
    %dma_wait3A_483 = arith.constant 0 : i32
    %dma_wait3A_484 = tpu.memref_slice %arg4[%add3A_477, %dma_wait3A_483] : memref<819200x128xf32, #tpu.memory_space<hbm>> -> memref<128x128xf32, #tpu.memory_space<hbm>>
    %dma_wait3A_485 = arith.constant 0 : i32
    %dma_wait3A_486 = tpu.memref_slice %arg4[%add3A_477, %dma_wait3A_485] : memref<819200x128xf32, #tpu.memory_space<hbm>> -> memref<128x128xf32, #tpu.memory_space<hbm>>
    %dma_wait3A_487 = arith.constant 0 : i32
    %dma_wait3A_488 = arith.constant 0 : i32
    %dma_wait3A_489 = tpu.memref_slice %arg6[%dma_wait3A_478, %dma_wait3A_487, %dma_wait3A_488] : memref<5x128x128xf32, #tpu.memory_space<vmem>> -> memref<1x128x128xf32, #tpu.memory_space<vmem>>
    %dma_wait3A_490 = tpu.memref_squeeze %dma_wait3A_489 : memref<1x128x128xf32, #tpu.memory_space<vmem>> -> memref<128x128xf32, #tpu.memory_space<vmem>>
    tpu.wait_dma2 semaphore(%arg15 : memref<!tpu.dma_semaphore, #tpu.memory_space<semaphore_mem>>) src(%dma_wait3A_490 : memref<128x128xf32, #tpu.memory_space<vmem>>) dst(%dma_wait3A_486 : memref<128x128xf32, #tpu.memory_space<hbm>>)
    %add3A_491 = arith.constant 25472 : i32
    %add3A_492 = arith.addi %mul3A_2, %add3A_491 : i32
    %dma_wait3A_493 = arith.constant 4 : i32
    %dma_wait3A_494 = arith.constant 0 : i32
    %dma_wait3A_495 = arith.constant 0 : i32
    %dma_wait3A_496 = tpu.memref_slice %arg6[%dma_wait3A_493, %dma_wait3A_494, %dma_wait3A_495] : memref<5x128x128xf32, #tpu.memory_space<vmem>> -> memref<1x128x128xf32, #tpu.memory_space<vmem>>
    %dma_wait3A_497 = tpu.memref_squeeze %dma_wait3A_496 : memref<1x128x128xf32, #tpu.memory_space<vmem>> -> memref<128x128xf32, #tpu.memory_space<vmem>>
    %dma_wait3A_498 = arith.constant 0 : i32
    %dma_wait3A_499 = tpu.memref_slice %arg4[%add3A_492, %dma_wait3A_498] : memref<819200x128xf32, #tpu.memory_space<hbm>> -> memref<128x128xf32, #tpu.memory_space<hbm>>
    %dma_wait3A_500 = arith.constant 0 : i32
    %dma_wait3A_501 = tpu.memref_slice %arg4[%add3A_492, %dma_wait3A_500] : memref<819200x128xf32, #tpu.memory_space<hbm>> -> memref<128x128xf32, #tpu.memory_space<hbm>>
    %dma_wait3A_502 = arith.constant 0 : i32
    %dma_wait3A_503 = arith.constant 0 : i32
    %dma_wait3A_504 = tpu.memref_slice %arg6[%dma_wait3A_493, %dma_wait3A_502, %dma_wait3A_503] : memref<5x128x128xf32, #tpu.memory_space<vmem>> -> memref<1x128x128xf32, #tpu.memory_space<vmem>>
    %dma_wait3A_505 = tpu.memref_squeeze %dma_wait3A_504 : memref<1x128x128xf32, #tpu.memory_space<vmem>> -> memref<128x128xf32, #tpu.memory_space<vmem>>
    tpu.wait_dma2 semaphore(%arg16 : memref<!tpu.dma_semaphore, #tpu.memory_space<semaphore_mem>>) src(%dma_wait3A_505 : memref<128x128xf32, #tpu.memory_space<vmem>>) dst(%dma_wait3A_501 : memref<128x128xf32, #tpu.memory_space<hbm>>)
    return
  }
}

</mosaic_0001>

<sc_bundles>
// kernel: kernel.3.cloned.1.call-start
scs
__scs_entry_jumppad:
0x0: {  	(pc) =	sbr.rel $0x88, $3  }
0x1: {  	(tag) =	ssettag $0x0;
	lr =	simm.s32 $0x1  }
0x2: {  	[smem:$0x3F9F] =	sst lr;
	_ =	strace $0xD0000000  }
0x3: {  	_ = 	snop  }
0x4: {  	_ = 	snop  }
0x5: {  	_ = 	snop  }
0x6: {  	_ = 	snop  }
0x7: {  	_ = 	snop  }
__scs_overlays_trampoline_lowered:
0x8: {  	[smem:$0x3FAE] =	sst s0  }
0x9: {  	[smem:$0x3FAF] =	sst s1  }
0xa: {  	[smem:$0x3FB0] =	sst s2  }
0xb: {  	[smem:$0x3FB1] =	sst s3  }
0xc: {  	[smem:$0x3FB2] =	sst s4  }
0xd: {  	[smem:$0x3FB3] =	sst s5  }
0xe: {  	[smem:$0x3FB4] =	sst s6  }
0xf: {  	[smem:$0x3FB5] =	sst s7  }
0x10: {  	[smem:$0x3FB6] =	sst s8  }
0x11: {  	[smem:$0x3FB7] =	sst s9;
	s0 =	simm.s32 @!p0 $0x0  }
0x12: {  	s1 =	sld [smem:$0x3F9D];
	s0 =	simm.s32 @p0 $0x1  }
0x13: {  	[smem:$0x3FB8] =	sst s0;
	s0 =	simm.s32 @!p1 $0x0  }
0x14: {  	s2 =	sld [smem:$0x3F9C];
	s0 =	simm.s32 @p1 $0x1  }
0x15: {  	[smem:$0x3FB9] =	sst s0;
	s0 =	simm.s32 @!p2 $0x0  }
0x16: {  	s3 =	sld [smem:$0x3FDB];
	s0 =	simm.s32 @p2 $0x1  }
0x17: {  	s4 =	simm.s32 $0x1BF5;
	[smem:$0x3FBB] =	sst s0  }
0x18: {  	s0 =	sld [smem:$0x3F9E];
	_ =	swait.ge [sflag:s4], $0x0  }
0x19: {  	s7 =	sld [smem:$0x3F9F]  }
0x1a: {  	s8 =	sadd.s32 $0xFFFFE003, lr  }
0x1b: {  	s9 =	sadd.s32 $0xFFFFFEF7, lr;
	s5 =	simm.s32 $0xFFFFFFFF;
	p2 =	slt.u32 s8, $0xFFFFF086  }
0x1c: {  	p1 =	slt.u32 s9, $0xF7A;
	s5 =	simm.s32 @!p2 $0x0  }
0x1d: {  	s5 =	simm.s32 @p1 $0x1;
	p0 =	seq.s32 s7, s2  }
0x1e: {  	s7 =	smul.u32 @!p0 $0xF7A, s2;
	p2 =	seq.s32 @!p0 s5, $0x0  }
0x1f: {  	s9 =	smul.u32 $0xF7A, s1;
	s8 =	simm.s32 @!p0 $0x1BF5;
	p2 =	por !p2, p0  }
0x20: {  	[sflag:s8] =	ssyncset.s32 @!p0 $0xFFFFF086;
	s6 =	sadd.s32 @!p0 s3, s7;
	s7 =	simm.s32 @!p0 $0x108  }
0x21: {  	s3 =	sadd.s32 s3, s9;
	s6 =	sadd.s32 @!p0 $0x88, s6;
	s7 =	simm.s32 @p2 $0x1082  }
0x22: {  	[simem:s7], [sflag:s8] =	dma.local @!p0 [hbm:s6], $0xF7A  }
0x23: {  	s9 =	sor.u32 $0xD0000000, s2;
	s6 =	simm.s32 $0x108;
	_ =	swait.ge @!p0 [sflag:s8], $0x0  }
0x24: {  	s3 =	sadd.s32 $0x88, s3;
	s6 =	simm.s32 @!p1 $0x1082;
	[sflag:s4] =	ssyncset.s32 $0xFFFFF086  }
0x25: {  	[simem:s6], [sflag:s4] =	dma.local [hbm:s3], $0xF7A  }
0x26: {  	[smem:$0x3F9F] =	sst s1;
	(tag) =	ssettag s2;
	_ =	strace s9  }
0x27: {  	s1 =	sld [smem:$0x3FAF]  }
0x28: {  	s2 =	sld [smem:$0x3FB0]  }
0x29: {  	s4 =	sld [smem:$0x3FB2]  }
0x2a: {  	p0 =	seq.s32 s5, $0x0;
	s5 =	sld [smem:$0x3FB3]  }
0x2b: {  	s6 =	sld [smem:$0x3FB4]  }
0x2c: {  	s7 =	sld [smem:$0x3FB5]  }
0x2d: {  	s3 =	simm.s32 $0x108;
	s8 =	sld [smem:$0x3FB6]  }
0x2e: {  	s3 =	simm.s32 @!p0 $0x1082;
	s9 =	sld [smem:$0x3FB7]  }
0x2f: {  	lr =	sadd.s32 s0, s3;
	s0 =	sld [smem:$0x3FAE]  }
0x30: {  	s3 =	sld [smem:$0x3FB1]  }
0x31: {  	[smem:$0x3FBA] =	sst s10  }
0x32: {  	s10 =	sld [smem:$0x3FB8];
	_ =	sdelay $0x3  }
0x33: {  	p0 =	seq.s32 s10, $0x1;
	s10 =	sld [smem:$0x3FBA];
	_ =	sdelay $0x3  }
0x34: {  	[smem:$0x3FBA] =	sst s10  }
0x35: {  	s10 =	sld [smem:$0x3FB9];
	_ =	sdelay $0x3  }
0x36: {  	p1 =	seq.s32 s10, $0x1;
	s10 =	sld [smem:$0x3FBA];
	_ =	sdelay $0x3  }
0x37: {  	[smem:$0x3FBA] =	sst s10  }
0x38: {  	s10 =	sld [smem:$0x3FBB]  }
0x39: {  	_ = 	snop;
	(pc) =	sbr.ind lr, $3  }
0x3a: {  	_ = 	snop  }
0x3b: {  	_ = 	snop  }
0x3c: {  	p2 =	seq.s32 s10, $0x1;
	s10 =	sld [smem:$0x3FBA]  }
0x3d: {  	_ =	shalt  }
0x3e: {  	_ =	shalt  }
0x3f: {  	_ =	shalt  }
0x40: {  	_ =	shalt  }
0x41: {  	_ =	shalt  }
0x42: {  	_ =	shalt  }
0x43: {  	_ =	shalt  }
0x44: {  	_ =	shalt  }
0x45: {  	_ =	shalt  }
0x46: {  	_ =	shalt  }
0x47: {  	_ =	shalt  }
0x48: {  	_ =	shalt  }
0x49: {  	_ =	shalt  }
0x4a: {  	_ =	shalt  }
0x4b: {  	_ =	shalt  }
0x4c: {  	_ =	shalt  }
0x4d: {  	_ =	shalt  }
0x4e: {  	_ =	shalt  }
0x4f: {  	_ =	shalt  }
0x50: {  	_ =	shalt  }
0x51: {  	_ =	shalt  }
0x52: {  	_ =	shalt  }
0x53: {  	_ =	shalt  }
0x54: {  	_ =	shalt  }
0x55: {  	_ =	shalt  }
0x56: {  	_ =	shalt  }
0x57: {  	_ =	shalt  }
0x58: {  	_ =	shalt  }
0x59: {  	_ =	shalt  }
0x5a: {  	_ =	shalt  }
0x5b: {  	_ =	shalt  }
0x5c: {  	_ =	shalt  }
0x5d: {  	_ =	shalt  }
0x5e: {  	_ =	shalt  }
0x5f: {  	_ =	shalt  }
0x60: {  	_ =	shalt  }
0x61: {  	_ =	shalt  }
0x62: {  	_ =	shalt  }
0x63: {  	_ =	shalt  }
0x64: {  	_ =	shalt  }
0x65: {  	_ =	shalt  }
0x66: {  	_ =	shalt  }
0x67: {  	_ =	shalt  }
0x68: {  	_ =	shalt  }
0x69: {  	_ =	shalt  }
0x6a: {  	_ =	shalt  }
0x6b: {  	_ =	shalt  }
0x6c: {  	_ =	shalt  }
0x6d: {  	_ =	shalt  }
0x6e: {  	_ =	shalt  }
0x6f: {  	_ =	shalt  }
0x70: {  	_ =	shalt  }
0x71: {  	_ =	shalt  }
0x72: {  	_ =	shalt  }
0x73: {  	_ =	shalt  }
0x74: {  	_ =	shalt  }
0x75: {  	_ =	shalt  }
0x76: {  	_ =	shalt  }
0x77: {  	_ =	shalt  }
0x78: {  	_ =	shalt  }
0x79: {  	_ =	shalt  }
0x7a: {  	_ =	shalt  }
0x7b: {  	_ =	shalt  }
0x7c: {  	_ =	shalt  }
0x7d: {  	_ =	shalt  }
0x7e: {  	_ =	shalt  }
0x7f: {  	_ =	shalt  }
0x80: {  	_ =	shalt  }
0x81: {  	_ =	shalt  }
0x82: {  	_ =	shalt  }
0x83: {  	_ =	shalt  }
0x84: {  	_ =	shalt  }
0x85: {  	_ =	shalt  }
0x86: {  	_ =	shalt  }
0x87: {  	_ =	shalt  }
.Lfunc_end0:
.L_simem_size_0:
called_computation_lowered:
.L_overlay_start_0:
0x88: {  	s2 =	sld [smem:$0x3FD9]  }
0x89: {  	s3 =	sld [smem:$0x3FFE];
	_ =	sdelay $0x1  }
0x8a: {  	s1 =	srdreg.scid  }
0x8b: {  	s0 =	sand.u32 $0x1, s1  }
0x8c: {  	s17 =	sshll.u32 s0, $0xA;
	s2 =	sadd.s32 s3, s2  }
0x8d: {  	s2 =	sadd.s32 s2, s17  }
0x8e: {  	[smem:$0x3FC6] =	sst s2  }
0x8f: {  	_ = 	snop  }
0x90: {  	s2 =	sld [smem:$0x3FC8]  }
0x91: {  	s18 =	sld [smem:$0x3FD0];
	(tm) =	ssettm $0x1  }
0x92: {  	s4 =	sld [smem:$0x3FFB];
	_ =	sdelay $0x3  }
0x93: {  	_ =	strace s4  }
0x94: {  	s4 =	sld [smem:$0x3FFC];
	_ =	sdelay $0x3  }
0x95: {  	_ =	strace s4  }
0x96: {  	s4 =	sld [smem:$0x3FFD];
	_ =	sdelay $0x3  }
0x97: {  	_ =	strace s4  }
0x98: {  	_ =	strace $0x8FFFFFFF  }
0x99: {  	s19 =	sld [smem:$0x3FDB];
	_ =	sdelay $0x1  }
0x9a: {  	s5 =	simm.s32 $_scs_section_size  }
0x9b: {  	s6 =	simm.s32 $_size__tile_overlayer_lowered;
	s7 =	simm.s32 $_tile_overlayer_lowered  }
0x9c: {  	s22 =	simm.s32 $0x1BFF;
	s21 =	sshll.u32 s7, $0x1;
	s4 =	sadd.s32 s5, s19  }
0x9d: {  	s8 =	simm.s32 $0x0;
	s20 =	sshll.u32 s6, $0x1;
	s6 =	sadd.s32 s21, s4  }
0x9e: {  	[timem:s8], [sflag:s22] =	dma.local [hbm:s6], s20  }
0x9f: {  	_ =	swait.ge [sflag:s22], s20  }
0xa0: {  	s5 =	ssub.s32 $0x0, s20;
	[sflag:s22] =	ssyncset.done $0x0  }
0xa1: {  	[sflag:s22] =	ssyncadd.s32 s5;
	_ =	sdelay $0x1  }
0xa2: {  	s23 =	simm.s32 $0x1B8B  }
0xa3: {  	_ =	swait.ge [sflag:s23], $0x1  }
0xa4: {  	[sflag:s23] =	ssyncset.done $0x0  }
0xa5: {  	s25 =	simm.s32 $0x1B8E;
	s24 =	sld [smem:$0x3FFE];
	[sflag:s23] =	ssyncadd.s32 $0xFFFFFFFF  }
0xa6: {  	s26 =	simm.s32 $execute0_lowered;
	[smem:$0x3FD2] =	sst s25  }
0xa7: {  	s6 =	sshll.u32 s26, $0x1;
	_ =	strace $0x80000046;
	[dreg:$0x1] =	wrdreg $0xFFFFFFFF  }
0xa8: {  	s28 =	simm.s32 $_size_execute0_lowered;
	s4 =	sadd.s32 s4, s6;
	[dreg:$0x0] =	wrdreg $0x0  }
0xa9: {  	s6 =	sshll.u32 s28, $0x1;
	[dreg:$0x2] =	wrdreg s4  }
0xaa: {  	[dreg:$0x3] =	wrdreg s6  }
0xab: {  	[dreg:$0x4] =	wrdreg $0xC0  }
0xac: {  	_ =	task [dreg:s8], $0x5FFFF  }
0xad: {  	[dreg:$0x1] =	wrdreg $0xFFFFFFFF  }
0xae: {  	[dreg:$0x0] =	wrdreg $0x60  }
0xaf: {  	[dreg:$0x2] =	wrdreg s24  }
0xb0: {  	[dreg:$0x3] =	wrdreg s2  }
0xb1: {  	[dreg:$0x4] =	wrdreg s18  }
0xb2: {  	[dreg:$0x5] =	wrdreg $0x9  }
0xb3: {  	_ =	task.clear_ibuf [dreg:s8], $0x6FFFF;
	_ =	strace $0x90000046  }
0xb4: {  	s29 =	simm.s32 $0x9;
	_ =	strace $0x80000048  }
0xb5: {  	_ =	swait.ge [sflag:s29], $0x1  }
0xb6: {  	[sflag:s29] =	ssyncadd.s32 $0xFFFFFFFF  }
0xb7: {  	_ =	strace $0x90000048  }
0xb8: {  	_ =	sfence  }
0xb9: {  	s30 =	sld [smem:$0x0];
	_ =	sdelay $0x2  }
0xba: {  	s31 =	sshll.u32 s1, $0xD;
	s1 =	sshrl.u32 s1, $0x2  }
0xbb: {  	s3 =	sand.u32 $0x4000, s31;
	s1 =	sadd.s32 s1, s30  }
0xbc: {  	s0 =	sor.u32 s3, s0;
	s1 =	sshll.u32 s1, $0x11  }
0xbd: {  	s0 =	sor.u32 s1, s0  }
0xbe: {  	s0 =	sadd.s32 $0x8F2B, s0  }
0xbf: {  	[sflag:s0] =	ssyncadd.remote.s32 $0x1  }
0xc0: {  	_ =	sfence.sel $0xFFFF  }
0xc1: {  	[dreg:$0x0] =	wrdreg $0xFFFFFFFF;
	(pc) =	sbr.abs _section_cstart, $3  }
0xc2: {  	[dreg:$0x1] =	wrdreg $0xFFFFFFFF  }
0xc3: {  	_ =	task.clear_ibuf [dreg:s8], $0x2FFFF;
	_ =	strace $0x9FFFFFFF  }
0xc4: {  	(tm) =	ssettm $0x7FFFFFFF  }
0xc5: {  	_ =	shalt  }
tec
execute0_lowered:
.L_overlay_start_1:
0x0: {  	(tag) =	ssettag $0x1  }
0x1: {  	s1 =	rddreg [dreg:$0x0]  }
0x2: {  	s0 =	srdreg.scid;
	s2 =	rddreg [dreg:$0x1]  }
0x3: {  	s10 =	stileid.u32;
	s6 =	rddreg [dreg:$0x2]  }
0x4: {  	s17 =	simm.s32 $0xB;
	s18 =	simm.s32 $0x80;
	s29 =	simm.s32 $0x16400  }
0x5: {  	s0 =	sand.u32 $0x1, s0;
	s3 =	sshll.u32 s10, $0x1;
	s25 =	smul.u32 $0xC8000, s10  }
0x6: {  	s5 =	sor.u32 s0, s3;
	s8 =	ssub.s32 $0x2, s0;
	s0 =	smul.u32 $0x64000, s0  }
0x7: {  	s30 =	simm.s32 $0x3;
	s31 =	simm.s32 $0x6;
	s4 =	smul.u32 $0x6400, s5  }
0x8: {  	s28 =	simm.s32 $0x5;
	s3 =	simm.s32 $0x0;
	s7 =	smul.u32 $0x64000, s5  }
0x9: {  	[smem:$0x7FF] =	sst s3;
	s9 =	sshrl.u32 s8, $0x1;
	s5 =	smul.u32 $0x320000, s5  }
0xa: {  	_ =	strace $0x80000047;
	s19 =	ssub.s32 s8, s9;
	s4 =	sshrl.u32 s4, $0x3  }
0xb: {  	s23 =	sshrl.u32 s5, $0x3;
	s5 =	sadd.s32 s25, s6;
	s1 =	sadd.s32 s4, s1  }
0xc: {  	s15 =	smax.u32 s19, $0x1;
	s4 =	sadd.s32 s6, s7;
	s1 =	sadd.s32 $0x400, s1  }
0xd: {  	s19 =	simm.s32 $0x6400;
	s20 =	sadd.s32 $0x800, s4;
	[dreg:$0x4] =	wrdreg s1  }
0xe: {  	s25 =	simm.s32 $0x12400;
	s21 =	sadd.s32 $0x1000, s4;
	[dreg:$0x5] =	wrdreg s20  }
0xf: {  	s0 =	sadd.s32 s0, s5;
	s22 =	sadd.s32 $0x1800, s4;
	[dreg:$0x6] =	wrdreg s21  }
0x10: {  	s5 =	simm.s32 $0xA;
	s24 =	sadd.s32 $0x2000, s4;
	[dreg:$0x7] =	wrdreg s22  }
0x11: {  	s16 =	sadd.s32 $0x4800, s0;
	s0 =	simm.s32 $0x4;
	[dreg:$0x8] =	wrdreg s24  }
0x12: {  	s1 =	sadd.s32 s6, s23;
	s20 =	simm.s32 $0xA400;
	s22 =	simm.s32 $0xE400  }
0x13: {  	s23 =	simm.s32 $0x1;
	s21 =	simm.s32 $0x7;
	s24 =	simm.s32 $0x9  }
0x14: {  	s6 =	simm.s32 $0x0;
	s26 =	sadd.s32 $0x61800, s1;
	s11 =	sadd.s32 $0x62000, s1  }
0x15: {  	s12 =	sadd.s32 $0x62800, s1;
	s13 =	sadd.s32 $0x63000, s1;
	s14 =	sadd.s32 $0x63800, s1  }
0x16: {  	s1 =	simm.s32 $0x8;
	[dreg:$0x9] =	wrdreg s26;
	s26 =	simm.s32 $0x2  }
.LBB2_1:
0x17: {  	s7 =	rddreg [dreg:$0x4]  }
0x18: {  	[tilespmem:s3], [sflag:$0xB] =	stream.linear.gather [hbm4b:s7+s3], $0x6400, $0x38;
	[tilespmem:$0x1A400] =	vst v63  }
0x19: {  	_ =	swait.ge [sflag:s17], $0x6400  }
0x1a: {  	[sflag:s17] =	ssyncset.done $0x0  }
0x1b: {  	[sflag:s17] =	ssyncadd.s32 $0xFFFF9C00  }
0x1c: {  	[tilespmem:s19], [sflag:$0x1] =	stream.indirect.gather [hbm4b:s2+s18], $0x80, s3, s18, $0xb8;
	[tilespmem:$0x1A400] =	vst v63  }
0x1d: {  	_ = 	snop  }
0x1e: {  	[tilespmem:s20], [sflag:$0x2] =	stream.indirect.gather [hbm4b:s2+s18], $0x80, s18, s18, $0xb8;
	[tilespmem:$0x1A400] =	vst v63  }
0x1f: {  	s8 =	simm.s32 $0x100  }
0x20: {  	[tilespmem:s22], [sflag:$0x3] =	stream.indirect.gather [hbm4b:s2+s18], $0x80, s8, s18, $0xb8;
	[tilespmem:$0x1A400] =	vst v63  }
0x21: {  	_ =	swait.ge [sflag:s23], $0x4000  }
0x22: {  	[sflag:s23] =	ssyncset.done $0x0  }
0x23: {  	[sflag:s23] =	ssyncadd.s32 $0xFFFFC000  }
0x24: {  	[hbm4b:s4+s3] =	stream.linear.scatter [tilespmem:s19], [sflag:$0x6], $0x4000, $0x38;
	[tilespmem:$0x1A400] =	vst v63  }
0x25: {  	s9 =	simm.s32 $0x180  }
0x26: {  	[tilespmem:s25], [sflag:$0x4] =	stream.indirect.gather [hbm4b:s2+s18], $0x80, s9, s18, $0xb8;
	[tilespmem:$0x1A400] =	vst v63  }
0x27: {  	_ =	swait.ge [sflag:s26], $0x4000  }
0x28: {  	[sflag:s26] =	ssyncset.done $0x0  }
0x29: {  	s10 =	rddreg [dreg:$0x5];
	[sflag:s26] =	ssyncadd.s32 $0xFFFFC000  }
0x2a: {  	[hbm4b:s10+s3] =	stream.linear.scatter [tilespmem:s20], [sflag:$0x7], $0x4000, $0x38;
	[tilespmem:$0x1A400] =	vst v63  }
0x2b: {  	s8 =	simm.s32 $0x200  }
0x2c: {  	[tilespmem:s29], [sflag:$0x5] =	stream.indirect.gather [hbm4b:s2+s18], $0x80, s8, s18, $0xb8;
	[tilespmem:$0x1A400] =	vst v63  }
0x2d: {  	_ =	swait.ge [sflag:s30], $0x4000  }
0x2e: {  	[sflag:s30] =	ssyncset.done $0x0  }
0x2f: {  	s9 =	rddreg [dreg:$0x6];
	[sflag:s30] =	ssyncadd.s32 $0xFFFFC000  }
0x30: {  	[hbm4b:s9+s3] =	stream.linear.scatter [tilespmem:s22], [sflag:$0x8], $0x4000, $0x38;
	[tilespmem:$0x1A400] =	vst v63  }
0x31: {  	_ =	swait.ge [sflag:s31], $0x4000  }
0x32: {  	[sflag:s31] =	ssyncset.done $0x0  }
0x33: {  	s10 =	simm.s32 $0x280;
	[sflag:s31] =	ssyncadd.s32 $0xFFFFC000  }
0x34: {  	[tilespmem:s19], [sflag:$0x1] =	stream.indirect.gather [hbm4b:s2+s18], $0x80, s10, s18, $0xb8;
	[tilespmem:$0x1A400] =	vst v63  }
0x35: {  	_ =	swait.ge [sflag:s0], $0x4000  }
0x36: {  	[sflag:s0] =	ssyncset.done $0x0  }
0x37: {  	s8 =	rddreg [dreg:$0x7];
	[sflag:s0] =	ssyncadd.s32 $0xFFFFC000  }
0x38: {  	[hbm4b:s8+s3] =	stream.linear.scatter [tilespmem:s25], [sflag:$0x9], $0x4000, $0x38;
	[tilespmem:$0x1A400] =	vst v63  }
0x39: {  	_ =	swait.ge [sflag:s21], $0x4000  }
0x3a: {  	[sflag:s21] =	ssyncset.done $0x0  }
0x3b: {  	s9 =	simm.s32 $0x300;
	[sflag:s21] =	ssyncadd.s32 $0xFFFFC000  }
0x3c: {  	[tilespmem:s20], [sflag:$0x2] =	stream.indirect.gather [hbm4b:s2+s18], $0x80, s9, s18, $0xb8;
	[tilespmem:$0x1A400] =	vst v63  }
0x3d: {  	_ =	swait.ge [sflag:s28], $0x4000  }
0x3e: {  	[sflag:s28] =	ssyncset.done $0x0  }
0x3f: {  	s10 =	rddreg [dreg:$0x8];
	[sflag:s28] =	ssyncadd.s32 $0xFFFFC000  }
0x40: {  	[hbm4b:s10+s3] =	stream.linear.scatter [tilespmem:s29], [sflag:$0xA], $0x4000, $0x38;
	[tilespmem:$0x1A400] =	vst v63  }
0x41: {  	_ =	swait.ge [sflag:s1], $0x4000  }
0x42: {  	[sflag:s1] =	ssyncset.done $0x0  }
0x43: {  	s8 =	simm.s32 $0x380;
	[sflag:s1] =	ssyncadd.s32 $0xFFFFC000  }
0x44: {  	[tilespmem:s22], [sflag:$0x3] =	stream.indirect.gather [hbm4b:s2+s18], $0x80, s8, s18, $0xb8;
	[tilespmem:$0x1A400] =	vst v63  }
0x45: {  	_ =	swait.ge [sflag:s23], $0x4000  }
0x46: {  	[sflag:s23] =	ssyncset.done $0x0  }
0x47: {  	s9 =	sadd.s32 $0xFFFFE000, s16;
	[sflag:s23] =	ssyncadd.s32 $0xFFFFC000  }
0x48: {  	[hbm4b:s9+s3] =	stream.linear.scatter [tilespmem:s19], [sflag:$0x6], $0x4000, $0x38;
	[tilespmem:$0x1A400] =	vst v63  }
0x49: {  	_ =	swait.ge [sflag:s24], $0x4000  }
0x4a: {  	[sflag:s24] =	ssyncset.done $0x0  }
0x4b: {  	s10 =	simm.s32 $0x400;
	[sflag:s24] =	ssyncadd.s32 $0xFFFFC000  }
0x4c: {  	[tilespmem:s25], [sflag:$0x4] =	stream.indirect.gather [hbm4b:s2+s18], $0x80, s10, s18, $0xb8;
	[tilespmem:$0x1A400] =	vst v63  }
0x4d: {  	_ =	swait.ge [sflag:s26], $0x4000  }
0x4e: {  	[sflag:s26] =	ssyncset.done $0x0  }
0x4f: {  	s8 =	sadd.s32 $0xFFFFE800, s16;
	[sflag:s26] =	ssyncadd.s32 $0xFFFFC000  }
0x50: {  	[hbm4b:s8+s3] =	stream.linear.scatter [tilespmem:s20], [sflag:$0x7], $0x4000, $0x38;
	[tilespmem:$0x1A400] =	vst v63  }
0x51: {  	_ =	swait.ge [sflag:s5], $0x4000  }
0x52: {  	[sflag:s5] =	ssyncset.done $0x0  }
0x53: {  	s9 =	simm.s32 $0x480;
	[sflag:s5] =	ssyncadd.s32 $0xFFFFC000  }
0x54: {  	[tilespmem:s29], [sflag:$0x5] =	stream.indirect.gather [hbm4b:s2+s18], $0x80, s9, s18, $0xb8;
	[tilespmem:$0x1A400] =	vst v63  }
0x55: {  	_ =	swait.ge [sflag:s30], $0x4000  }
0x56: {  	[sflag:s30] =	ssyncset.done $0x0  }
0x57: {  	s10 =	sadd.s32 $0xFFFFF000, s16;
	[sflag:s30] =	ssyncadd.s32 $0xFFFFC000  }
0x58: {  	[hbm4b:s10+s3] =	stream.linear.scatter [tilespmem:s22], [sflag:$0x8], $0x4000, $0x38;
	[tilespmem:$0x1A400] =	vst v63  }
0x59: {  	_ =	swait.ge [sflag:s31], $0x4000  }
0x5a: {  	[sflag:s31] =	ssyncset.done $0x0  }
0x5b: {  	s8 =	simm.s32 $0x500;
	[sflag:s31] =	ssyncadd.s32 $0xFFFFC000  }
0x5c: {  	[tilespmem:s19], [sflag:$0x1] =	stream.indirect.gather [hbm4b:s2+s18], $0x80, s8, s18, $0xb8;
	[tilespmem:$0x1A400] =	vst v63  }
0x5d: {  	_ =	swait.ge [sflag:s0], $0x4000  }
0x5e: {  	[sflag:s0] =	ssyncset.done $0x0  }
0x5f: {  	s9 =	sadd.s32 $0xFFFFF800, s16;
	[sflag:s0] =	ssyncadd.s32 $0xFFFFC000  }
0x60: {  	[hbm4b:s9+s3] =	stream.linear.scatter [tilespmem:s25], [sflag:$0x9], $0x4000, $0x38;
	[tilespmem:$0x1A400] =	vst v63  }
0x61: {  	_ =	swait.ge [sflag:s21], $0x4000  }
0x62: {  	[sflag:s21] =	ssyncset.done $0x0  }
0x63: {  	s10 =	simm.s32 $0x580;
	[sflag:s21] =	ssyncadd.s32 $0xFFFFC000  }
0x64: {  	[tilespmem:s20], [sflag:$0x2] =	stream.indirect.gather [hbm4b:s2+s18], $0x80, s10, s18, $0xb8;
	[tilespmem:$0x1A400] =	vst v63  }
0x65: {  	_ =	swait.ge [sflag:s28], $0x4000  }
0x66: {  	[sflag:s28] =	ssyncset.done $0x0  }
0x67: {  	[sflag:s28] =	ssyncadd.s32 $0xFFFFC000  }
0x68: {  	[hbm4b:s16+s3] =	stream.linear.scatter [tilespmem:s29], [sflag:$0xA], $0x4000, $0x38;
	[tilespmem:$0x1A400] =	vst v63  }
0x69: {  	_ =	swait.ge [sflag:s1], $0x4000  }
0x6a: {  	s7 =	simm.s32 $0xA00;
	[sflag:s1] =	ssyncset.done $0x0  }
0x6b: {  	s8 =	sadd.s32 $0x2800, s16;
	s9 =	simm.s32 $0x600;
	[sflag:s1] =	ssyncadd.s32 $0xFFFFC000  }
.LBB2_2:
0x6c: {  	[tilespmem:s22], [sflag:$0x3] =	stream.indirect.gather [hbm4b:s2+s18], $0x80, s9, s18, $0xb8;
	[tilespmem:$0x1A400] =	vst v63  }
0x6d: {  	s9 =	smov.u32 s7  }
0x6e: {  	p0 =	sne.s32 s7, $0x17200;
	s7 =	sadd.s32 $0xA00, s7;
	_ =	swait.ge [sflag:s23], $0x4000  }
0x6f: {  	[sflag:s23] =	ssyncset.done $0x0  }
0x70: {  	s10 =	sadd.s32 $0xFFFFE000, s8;
	[sflag:s23] =	ssyncadd.s32 $0xFFFFC000  }
0x71: {  	[hbm4b:s10+s3] =	stream.linear.scatter [tilespmem:s19], [sflag:$0x6], $0x4000, $0x38;
	[tilespmem:$0x1A400] =	vst v63  }
0x72: {  	_ =	swait.ge [sflag:s24], $0x4000  }
0x73: {  	s9 =	sshra.s32 s9, $0x2;
	[sflag:s24] =	ssyncset.done $0x0  }
0x74: {  	s10 =	sadd.s32 $0x400, s9;
	[sflag:s24] =	ssyncadd.s32 $0xFFFFC000  }
0x75: {  	[tilespmem:s25], [sflag:$0x4] =	stream.indirect.gather [hbm4b:s2+s18], $0x80, s10, s18, $0xb8;
	[tilespmem:$0x1A400] =	vst v63  }
0x76: {  	_ =	swait.ge [sflag:s26], $0x4000  }
0x77: {  	[sflag:s26] =	ssyncset.done $0x0  }
0x78: {  	s10 =	sadd.s32 $0xFFFFE800, s8;
	[sflag:s26] =	ssyncadd.s32 $0xFFFFC000  }
0x79: {  	[hbm4b:s10+s3] =	stream.linear.scatter [tilespmem:s20], [sflag:$0x7], $0x4000, $0x38;
	[tilespmem:$0x1A400] =	vst v63  }
0x7a: {  	_ =	swait.ge [sflag:s5], $0x4000  }
0x7b: {  	[sflag:s5] =	ssyncset.done $0x0  }
0x7c: {  	s10 =	sadd.s32 $0x480, s9;
	[sflag:s5] =	ssyncadd.s32 $0xFFFFC000  }
0x7d: {  	[tilespmem:s29], [sflag:$0x5] =	stream.indirect.gather [hbm4b:s2+s18], $0x80, s10, s18, $0xb8;
	[tilespmem:$0x1A400] =	vst v63  }
0x7e: {  	_ =	swait.ge [sflag:s30], $0x4000  }
0x7f: {  	[sflag:s30] =	ssyncset.done $0x0  }
0x80: {  	s10 =	sadd.s32 $0xFFFFF000, s8;
	[sflag:s30] =	ssyncadd.s32 $0xFFFFC000  }
0x81: {  	[hbm4b:s10+s3] =	stream.linear.scatter [tilespmem:s22], [sflag:$0x8], $0x4000, $0x38;
	[tilespmem:$0x1A400] =	vst v63  }
0x82: {  	_ =	swait.ge [sflag:s31], $0x4000  }
0x83: {  	[sflag:s31] =	ssyncset.done $0x0  }
0x84: {  	s10 =	sadd.s32 $0x500, s9;
	[sflag:s31] =	ssyncadd.s32 $0xFFFFC000  }
0x85: {  	[tilespmem:s19], [sflag:$0x1] =	stream.indirect.gather [hbm4b:s2+s18], $0x80, s10, s18, $0xb8;
	[tilespmem:$0x1A400] =	vst v63  }
0x86: {  	_ =	swait.ge [sflag:s0], $0x4000  }
0x87: {  	[sflag:s0] =	ssyncset.done $0x0  }
0x88: {  	s10 =	sadd.s32 $0xFFFFF800, s8;
	[sflag:s0] =	ssyncadd.s32 $0xFFFFC000  }
0x89: {  	[hbm4b:s10+s3] =	stream.linear.scatter [tilespmem:s25], [sflag:$0x9], $0x4000, $0x38;
	[tilespmem:$0x1A400] =	vst v63  }
0x8a: {  	_ =	swait.ge [sflag:s21], $0x4000  }
0x8b: {  	[sflag:s21] =	ssyncset.done $0x0  }
0x8c: {  	s10 =	sadd.s32 $0x580, s9;
	[sflag:s21] =	ssyncadd.s32 $0xFFFFC000  }
0x8d: {  	[tilespmem:s20], [sflag:$0x2] =	stream.indirect.gather [hbm4b:s2+s18], $0x80, s10, s18, $0xb8;
	[tilespmem:$0x1A400] =	vst v63  }
0x8e: {  	_ =	swait.ge [sflag:s28], $0x4000  }
0x8f: {  	[sflag:s28] =	ssyncset.done $0x0  }
.Ltmp0:
0x90: {  	[sflag:s28] =	ssyncadd.s32 $0xFFFFC000;
	(pc) =	sbr.rel @p0 .LBB2_2-.Ltmp0, $4  }
0x91: {  	[hbm4b:s8+s3] =	stream.linear.scatter [tilespmem:s29], [sflag:$0xA], $0x4000, $0x38;
	[tilespmem:$0x1A400] =	vst v63  }
0x92: {  	_ =	swait.ge [sflag:s1], $0x4000  }
0x93: {  	[sflag:s1] =	ssyncset.done $0x0  }
0x94: {  	s9 =	sadd.s32 $0x600, s9;
	s8 =	sadd.s32 $0x2800, s8;
	[sflag:s1] =	ssyncadd.s32 $0xFFFFC000  }
0x95: {  	[tilespmem:s22], [sflag:$0x3] =	stream.indirect.gather [hbm4b:s2+s18], $0x80, s9, s18, $0xb8;
	[tilespmem:$0x1A400] =	vst v63  }
0x96: {  	_ =	swait.ge [sflag:s23], $0x4000  }
0x97: {  	[sflag:s23] =	ssyncset.done $0x0  }
0x98: {  	s7 =	rddreg [dreg:$0x9];
	[sflag:s23] =	ssyncadd.s32 $0xFFFFC000  }
0x99: {  	[hbm4b:s7+s3] =	stream.linear.scatter [tilespmem:s19], [sflag:$0x6], $0x4000, $0x38;
	[tilespmem:$0x1A400] =	vst v63  }
0x9a: {  	_ =	swait.ge [sflag:s24], $0x4000  }
0x9b: {  	[sflag:s24] =	ssyncset.done $0x0  }
0x9c: {  	s9 =	simm.s32 $0x6300;
	[sflag:s24] =	ssyncadd.s32 $0xFFFFC000  }
0x9d: {  	[tilespmem:s25], [sflag:$0x4] =	stream.indirect.gather [hbm4b:s2+s18], $0x80, s9, s18, $0xb8;
	[tilespmem:$0x1A400] =	vst v63  }
0x9e: {  	_ =	swait.ge [sflag:s26], $0x4000  }
0x9f: {  	[sflag:s26] =	ssyncset.done $0x0  }
0xa0: {  	[sflag:s26] =	ssyncadd.s32 $0xFFFFC000  }
0xa1: {  	[hbm4b:s11+s3] =	stream.linear.scatter [tilespmem:s20], [sflag:$0x7], $0x4000, $0x38;
	[tilespmem:$0x1A400] =	vst v63  }
0xa2: {  	_ =	swait.ge [sflag:s5], $0x4000  }
0xa3: {  	[sflag:s5] =	ssyncset.done $0x0  }
0xa4: {  	s10 =	simm.s32 $0x6380;
	[sflag:s5] =	ssyncadd.s32 $0xFFFFC000  }
0xa5: {  	[tilespmem:s29], [sflag:$0x5] =	stream.indirect.gather [hbm4b:s2+s18], $0x80, s10, s18, $0xb8;
	[tilespmem:$0x1A400] =	vst v63  }
0xa6: {  	_ =	swait.ge [sflag:s30], $0x4000  }
0xa7: {  	[sflag:s30] =	ssyncset.done $0x0  }
0xa8: {  	[sflag:s30] =	ssyncadd.s32 $0xFFFFC000  }
0xa9: {  	[hbm4b:s12+s3] =	stream.linear.scatter [tilespmem:s22], [sflag:$0x8], $0x4000, $0x38;
	[tilespmem:$0x1A400] =	vst v63  }
0xaa: {  	_ =	swait.ge [sflag:s0], $0x4000  }
0xab: {  	[sflag:s0] =	ssyncset.done $0x0  }
0xac: {  	[sflag:s0] =	ssyncadd.s32 $0xFFFFC000  }
0xad: {  	[hbm4b:s13+s3] =	stream.linear.scatter [tilespmem:s25], [sflag:$0x9], $0x4000, $0x38;
	[tilespmem:$0x1A400] =	vst v63  }
0xae: {  	_ =	swait.ge [sflag:s28], $0x4000  }
0xaf: {  	[sflag:s28] =	ssyncset.done $0x0  }
0xb0: {  	[sflag:s28] =	ssyncadd.s32 $0xFFFFC000  }
0xb1: {  	[hbm4b:s14+s3] =	stream.linear.scatter [tilespmem:s29], [sflag:$0xA], $0x4000, $0x38;
	[tilespmem:$0x1A400] =	vst v63  }
0xb2: {  	_ =	swait.ge [sflag:s31], $0x4000  }
0xb3: {  	[sflag:s31] =	ssyncset.done $0x0  }
0xb4: {  	[sflag:s31] =	ssyncadd.s32 $0xFFFFC000  }
0xb5: {  	_ =	swait.ge [sflag:s21], $0x4000  }
0xb6: {  	[sflag:s21] =	ssyncset.done $0x0  }
0xb7: {  	[sflag:s21] =	ssyncadd.s32 $0xFFFFC000  }
0xb8: {  	_ =	swait.ge [sflag:s1], $0x4000  }
0xb9: {  	[sflag:s1] =	ssyncset.done $0x0  }
0xba: {  	s6 =	sadd.s32 $0x1, s6;
	[sflag:s1] =	ssyncadd.s32 $0xFFFFC000  }
0xbb: {  	p0 =	sne.s32 s6, s15;
	_ =	swait.ge [sflag:s24], $0x4000  }
.Ltmp1:
0xbc: {  	[sflag:s24] =	ssyncset.done $0x0;
	(pc) =	sbr.rel @p0 .LBB2_1-.Ltmp1, $4  }
0xbd: {  	[sflag:s24] =	ssyncadd.s32 $0xFFFFC000  }
0xbe: {  	_ =	swait.ge [sflag:s5], $0x4000  }
0xbf: {  	[sflag:s5] =	ssyncset.done $0x0  }
0xc0: {  	[sflag:s5] =	ssyncadd.s32 $0xFFFFC000  }
0xc1: {  	_ =	sfence.sel $0x180000  }
0xc2: {  	[bflag:$0x0] =	sbarrier.arrive $0xFFFF  }
0xc3: {  	_ =	strace $0x90000047  }
0xc4: {  	s0 =	stileid.u32;
	[bflag:$0x2] =	sbarrier.arrive $0xFFFF  }
0xc5: {  	p0 =	sne.s32 s0, $0x0;
	s0 =	rddreg [dreg:$0x3]  }
0xc6: {  	s0 =	sadd.s32 @!p0 $0x100000, s0  }
0xc7: {  	[sflag:s0] =	ssyncadd.tile.s32 @!p0 $0x1;
	_ =	shalt  }
.Lfunc_end2:
_tile_overlayer_lowered:
.L_overlay_start_2:
0xc8: {  	(tag) =	ssettag $0x2  }
0xc9: {  	s0 =	rddreg [dreg:$0x0];
	s2 =	stileid.u32  }
0xca: {  	s1 =	rddreg [dreg:$0x1];
	p0 =	sne.s32 s2, $0x0  }
0xcb: {  	s3 =	rddreg [dreg:$0x2];
	[bflag:$0x3] =	sbarrier.arrive $0xFFFF;
	s2 =	simm.s32 @!p0 $0x1C0B  }
0xcc: {  	[timem:s3], [sflag:s2] =	dma.local @!p0 [hbm:s0], s1  }
0xcd: {  	s0 =	simm.s32 @!p0 $0xB  }
0xce: {  	_ =	swait.ge @!p0 [sflag:s0], s1  }
0xcf: {  	s1 =	ssub.s32 @!p0 $0x0, s1;
	[sflag:s0] =	ssyncset.done @!p0 $0x0  }
0xd0: {  	[sflag:s0] =	ssyncadd.s32 @!p0 s1  }
0xd1: {  	[bflag:$0x3] =	sbarrier.arrive $0xFFFF  }
0xd2: {  	_ =	shalt  }

</sc_bundles>
